<compile_context>
chip_gen: v7x
topology: tpu7x:2x2x1
jax: 0.10.2.dev20260603
libtpu: 0.0.44.dev20260713+nightly
codegen_flags: <defaults>
</compile_context>

<pallas_src>
import functools

import jax
import jax.numpy as jnp
from jax import lax
from jax.experimental import pallas as pl
from jax.experimental.pallas import tpu as pltpu
from jax.experimental.pallas import tpu_sc as plsc

BATCH = 16384
FIELDS = 26
EMBED_DIM = 32
OUTPUT_DIM = 64
VOCAB = 1000000
N = BATCH * FIELDS
N4 = N // 4
QUART = BATCH // 4

NUM_CORES = 2
NUM_SUBCORES = 16
NUM_WORKERS = NUM_CORES * NUM_SUBCORES
N_PER_W = N // NUM_WORKERS

IDX_LANE = 128
J_TOTAL = N_PER_W // IDX_LANE
J_PER_CHUNK = 8
CHUNK_ROWS = J_PER_CHUNK * IDX_LANE
N_CHUNKS = J_TOTAL // J_PER_CHUNK
CHUNKS_PER_FIELD = BATCH // CHUNK_ROWS
CHUNKS_PER_QUART = QUART // CHUNK_ROWS


TBLK = 4096
VBLK = 4 * TBLK
NBLK = (VOCAB + VBLK - 1) // VBLK
TPAD = NBLK * TBLK
VPAD = 4 * TPAD


def _fmt_body(t_ref, out_ref):
    parts = []
    for k in range(4):
        tk = t_ref[:, k * TBLK:(k + 1) * TBLK]
        parts.append(jnp.transpose(tk))
    out_ref[...] = jnp.concatenate(parts, axis=1)


def _format_table(table_t):
    return pl.pallas_call(
        _fmt_body,
        grid=(NBLK,),
        in_specs=[pl.BlockSpec((EMBED_DIM, VBLK), lambda i: (0, i))],
        out_specs=pl.BlockSpec((TBLK, 4 * EMBED_DIM), lambda i: (i, 0)),
        out_shape=jax.ShapeDtypeStruct((TPAD, 4 * EMBED_DIM), jnp.float32),
        compiler_params=pltpu.CompilerParams(fuse_transposed_lhs_in_matmul=True),
    )(table_t)


def _make_gather():
    mesh = plsc.VectorSubcoreMesh(core_axis_name="c", subcore_axis_name="s")

    @functools.partial(
        pl.kernel,
        mesh=mesh,
        out_type=jax.ShapeDtypeStruct((FIELDS * QUART, 4 * EMBED_DIM), jnp.float32),
        name="emb_gather",
        scratch_types=[
            pltpu.VMEM((J_TOTAL, IDX_LANE), jnp.int32),
            pltpu.VMEM((CHUNK_ROWS, EMBED_DIM), jnp.float32),
            pltpu.SemaphoreType.DMA,
        ],
        compiler_params=pltpu.CompilerParams(use_tc_tiling_on_sc=False),
    )
    def gather(idx_hbm, table_hbm, out_hbm, idx_v, rows_v, sem):
        wid = lax.axis_index("s") * NUM_CORES + lax.axis_index("c")
        pltpu.sync_copy(idx_hbm.at[pl.ds(wid * J_TOTAL, J_TOTAL)], idx_v)

        def remap_row(r, _):
            for l in range(IDX_LANE // 16):
                v = idx_v[r, pl.ds(l * 16, 16)]
                vv = v & (VBLK - 1)
                m = (v - vv) + ((vv & (TBLK - 1)) << 2) + (vv >> (TBLK.bit_length() - 1))
                idx_v[r, pl.ds(l * 16, 16)] = m
            return 0

        lax.fori_loop(0, J_TOTAL, remap_row, 0)

        def chunk_body(c, _):
            copies = []
            for j in range(J_PER_CHUNK):
                cp = pltpu.async_copy(
                    table_hbm.at[idx_v.at[c * J_PER_CHUNK + j]],
                    rows_v.at[pl.ds(j * IDX_LANE, IDX_LANE)],
                    sem,
                )
                copies.append(cp)
            for cp in copies:
                cp.wait()
            ck = wid * N_CHUNKS + c
            f = ck // CHUNKS_PER_FIELD
            r = ck % CHUNKS_PER_FIELD
            q = r // CHUNKS_PER_QUART
            row0 = f * QUART + (r % CHUNKS_PER_QUART) * CHUNK_ROWS
            pltpu.sync_copy(
                rows_v,
                out_hbm.at[pl.ds(row0, CHUNK_ROWS),
                           pl.ds(q * EMBED_DIM, EMBED_DIM)],
            )
            return 0

        lax.fori_loop(0, N_CHUNKS, chunk_body, 0)

    return gather


_gather = _make_gather()


def _proj_body(emb_ref, w_ref, b_ref, out_ref):
    w = w_ref[...]
    bb = b_ref[...]
    emb = emb_ref[0]
    for q in range(4):
        p = emb[:, q * EMBED_DIM:(q + 1) * EMBED_DIM]
        y = jax.lax.dot_general(
            w, p, (((1,), (1,)), ((), ())),
            preferred_element_type=jnp.float32,
        )
        out_ref[0, :, q * QUART:(q + 1) * QUART] = y + bb


def _project(emb3, w, b2):
    return pl.pallas_call(
        _proj_body,
        grid=(FIELDS,),
        in_specs=[
            pl.BlockSpec((1, QUART, 4 * EMBED_DIM), lambda f: (f, 0, 0)),
            pl.BlockSpec((OUTPUT_DIM, EMBED_DIM), lambda f: (0, 0)),
            pl.BlockSpec((OUTPUT_DIM, 1), lambda f: (0, 0)),
        ],
        out_specs=pl.BlockSpec((1, OUTPUT_DIM, BATCH), lambda f: (f, 0, 0)),
        out_shape=jax.ShapeDtypeStruct((FIELDS, OUTPUT_DIM, BATCH), jnp.float32),
    )(emb3, w, b2)


def kernel(x, table, W, b):
    idx = x.T.reshape(N // IDX_LANE, IDX_LANE).astype(jnp.int32)
    table4p = _format_table(table.T)
    emb4 = _gather(idx, table4p.reshape(VPAD, EMBED_DIM))
    emb3 = emb4.reshape(FIELDS, QUART, 4 * EMBED_DIM)
    out_t = _project(emb3, W, b.reshape(OUTPUT_DIM, 1))
    return jnp.transpose(out_t, (2, 0, 1))

# --- scband reference (transcript-rebuilt; emitter-appended) ---
"""Pipeline reference for scband-project-embedding-41085657153854 (READ-ONLY COPY).

The authoritative reference and input builder live on the scoring server;
editing this copy changes nothing except your own understanding.
"""

import jax, jax.numpy as jnp
import numpy as np

VOCAB = 1000000
EMBED_DIM = 32
OUTPUT_DIM = 64
BATCH = 16384
FIELDS = 26


def setup_inputs(seed: int = 0) -> dict:
    key = jax.random.key(seed)
    k_idx, k_tab, k_w, k_b = jax.random.split(key, 4)
    x = jax.random.randint(k_idx, (BATCH, FIELDS), 0, VOCAB, dtype=jnp.int64)
    table = jax.random.normal(k_tab, (VOCAB, EMBED_DIM), dtype=jnp.float32)
    # nn.Linear: weight [out, in], bias [out]
    W = jax.random.normal(k_w, (OUTPUT_DIM, EMBED_DIM), dtype=jnp.float32) * (1.0 / np.sqrt(EMBED_DIM))
    b = jax.random.normal(k_b, (OUTPUT_DIM,), dtype=jnp.float32) * 0.01
    return {"x": x, "table": table, "W": W, "b": b}


def reference(x, table, W, b):
    # embed_module(x): gather rows from embedding table
    emb = jnp.take(table, x, axis=0)           # [B, F, EMBED_DIM]
    # self.proj(emb): Linear(embed_dim -> output_dim)
    pred = jnp.dot(emb, W.T) + b               # [B, F, OUTPUT_DIM]
    return pred

if __name__ == "__main__":
    import jax
    _d = setup_inputs()
    print(jax.jit(kernel)(*tuple(_d.values())))

</pallas_src>

<mosaic_0001>
#map = affine_map<(d0, d1) -> (0, 0)>
module attributes {stable_mosaic.version = 14 : i64} {
  func.func @emb_gather(%arg0: i32, %arg1: i32, %arg2: memref<3328x128xi32, #tpu.memory_space<hbm>>, %arg3: memref<1015808x32xf32, #tpu.memory_space<hbm>>, %arg4: memref<106496x128xf32, #tpu.memory_space<hbm>>, %arg5: memref<104x128xi32, #tpu.memory_space<vmem>>, %arg6: memref<1024x32xf32, #tpu.memory_space<vmem>>, %arg7: memref<!tpu.dma_semaphore, #tpu.memory_space<semaphore_mem>>) attributes {dimension_semantics = [#tpu.dimension_semantics<core_parallel>, #tpu.dimension_semantics<subcore_parallel>], iteration_bounds = array<i64: 2, 16>, scalar_prefetch = 0 : i64, scratch_operands = 3 : i64, tpu.core_type = #tpu.core_type<sc_vector_subcore>, window_params = [{transform_indices = #map}, {transform_indices = #map}, {transform_indices = #map}]} {
    %mul3A = arith.constant 2 : i32
    %mul3A_0 = arith.muli %arg1, %mul3A : i32
    %add3A = arith.addi %mul3A_0, %arg0 : i32
    %mul3A_1 = arith.constant 104 : i32
    %mul3A_2 = arith.muli %add3A, %mul3A_1 : i32
    "tpu.region"() ({
      %run_scoped3A = tpu.sem_alloc : memref<!tpu.dma_semaphore, #tpu.memory_space<semaphore_mem>>
      %dma_start3A = arith.constant 0 : i32
      %dma_start3A_16 = tpu.memref_slice %arg2[%mul3A_2, %dma_start3A] : memref<3328x128xi32, #tpu.memory_space<hbm>> -> memref<104x128xi32, #tpu.memory_space<hbm>>
      %dma_start3A_17 = arith.constant 0 : i32
      %dma_start3A_18 = tpu.memref_slice %arg2[%mul3A_2, %dma_start3A_17] : memref<3328x128xi32, #tpu.memory_space<hbm>> -> memref<104x128xi32, #tpu.memory_space<hbm>>
      tpu.enqueue_dma source(%dma_start3A_18 : memref<104x128xi32, #tpu.memory_space<hbm>>) target(%arg5 : memref<104x128xi32, #tpu.memory_space<vmem>>) target_semaphore(%run_scoped3A : memref<!tpu.dma_semaphore, #tpu.memory_space<semaphore_mem>>)
      %dma_wait3A = arith.constant 0 : i32
      %dma_wait3A_19 = tpu.memref_slice %arg2[%mul3A_2, %dma_wait3A] : memref<3328x128xi32, #tpu.memory_space<hbm>> -> memref<104x128xi32, #tpu.memory_space<hbm>>
      %dma_wait3A_20 = arith.constant 0 : i32
      %dma_wait3A_21 = tpu.memref_slice %arg2[%mul3A_2, %dma_wait3A_20] : memref<3328x128xi32, #tpu.memory_space<hbm>> -> memref<104x128xi32, #tpu.memory_space<hbm>>
      tpu.wait_dma2 semaphore(%run_scoped3A : memref<!tpu.dma_semaphore, #tpu.memory_space<semaphore_mem>>) src(%dma_wait3A_21 : memref<104x128xi32, #tpu.memory_space<hbm>>) dst(%arg5 : memref<104x128xi32, #tpu.memory_space<vmem>>)
      tpu.yield
    }) : () -> ()
    %scan3A = arith.constant 0 : i32
    %scan3A_3 = arith.constant 0 : i32
    %scan3A_4 = arith.constant 104 : i32
    %scan3A_5 = arith.addi %scan3A_3, %scan3A_4 : i32
    %scan3A_6 = arith.constant 1 : i32
    %scan3A_7 = scf.for %scan3A_16 = %scan3A_3 to %scan3A_5 step %scan3A_6 iter_args(%scan3A_17 = %scan3A) -> (i32)  : i32 {
      %get3A = arith.index_cast %scan3A_16 : i32 to index
      %get3A_18 = arith.constant 0 : index
      %get3A_19 = tpu.vector_load %arg5[%get3A, %get3A_18] {strides = array<i32>} : memref<104x128xi32, #tpu.memory_space<vmem>>, vector<1x16xi32>,
      %get3A_20 = vector.shape_cast %get3A_19 : vector<1x16xi32> to vector<16xi32>
      %and3A = arith.constant 16383 : i32
      %and3A_21 = vector.broadcast %and3A : i32 to vector<16xi32>
      %and3A_22 = arith.andi %get3A_20, %and3A_21 : vector<16xi32>
      %sub3A = arith.subi %get3A_20, %and3A_22 : vector<16xi32>
      %and3A_23 = arith.constant 4095 : i32
      %and3A_24 = vector.broadcast %and3A_23 : i32 to vector<16xi32>
      %and3A_25 = arith.andi %and3A_22, %and3A_24 : vector<16xi32>
      %shift_left3A = arith.constant 2 : i32
      %shift_left3A_26 = vector.broadcast %shift_left3A : i32 to vector<16xi32>
      %shift_left3A_27 = arith.shli %and3A_25, %shift_left3A_26 : vector<16xi32>
      %add3A_28 = arith.addi %sub3A, %shift_left3A_27 : vector<16xi32>
      %shift_right_arithmetic3A = arith.constant 12 : i32
      %shift_right_arithmetic3A_29 = vector.broadcast %shift_right_arithmetic3A : i32 to vector<16xi32>
      %shift_right_arithmetic3A_30 = arith.shrsi %and3A_22, %shift_right_arithmetic3A_29 : vector<16xi32>
      %add3A_31 = arith.addi %add3A_28, %shift_right_arithmetic3A_30 : vector<16xi32>
      %swap3A = arith.index_cast %scan3A_16 : i32 to index
      %swap3A_32 = arith.constant 0 : index
      %swap3A_33 = tpu.vector_load %arg5[%swap3A, %swap3A_32] {strides = array<i32>} : memref<104x128xi32, #tpu.memory_space<vmem>>, vector<1x16xi32>,
      %swap3A_34 = vector.shape_cast %swap3A_33 : vector<1x16xi32> to vector<16xi32>
      %swap3A_35 = vector.shape_cast %add3A_31 : vector<16xi32> to vector<1x16xi32>
      tpu.vector_store %arg5[%swap3A, %swap3A_32], %swap3A_35 {strides = array<i32>} : memref<104x128xi32, #tpu.memory_space<vmem>>, vector<1x16xi32>,
      %get3A_36 = arith.index_cast %scan3A_16 : i32 to index
      %get3A_37 = arith.constant 16 : index
      %get3A_38 = tpu.vector_load %arg5[%get3A_36, %get3A_37] {strides = array<i32>} : memref<104x128xi32, #tpu.memory_space<vmem>>, vector<1x16xi32>,
      %get3A_39 = vector.shape_cast %get3A_38 : vector<1x16xi32> to vector<16xi32>
      %and3A_40 = arith.constant 16383 : i32
      %and3A_41 = vector.broadcast %and3A_40 : i32 to vector<16xi32>
      %and3A_42 = arith.andi %get3A_39, %and3A_41 : vector<16xi32>
      %sub3A_43 = arith.subi %get3A_39, %and3A_42 : vector<16xi32>
      %and3A_44 = arith.constant 4095 : i32
      %and3A_45 = vector.broadcast %and3A_44 : i32 to vector<16xi32>
      %and3A_46 = arith.andi %and3A_42, %and3A_45 : vector<16xi32>
      %shift_left3A_47 = arith.constant 2 : i32
      %shift_left3A_48 = vector.broadcast %shift_left3A_47 : i32 to vector<16xi32>
      %shift_left3A_49 = arith.shli %and3A_46, %shift_left3A_48 : vector<16xi32>
      %add3A_50 = arith.addi %sub3A_43, %shift_left3A_49 : vector<16xi32>
      %shift_right_arithmetic3A_51 = arith.constant 12 : i32
      %shift_right_arithmetic3A_52 = vector.broadcast %shift_right_arithmetic3A_51 : i32 to vector<16xi32>
      %shift_right_arithmetic3A_53 = arith.shrsi %and3A_42, %shift_right_arithmetic3A_52 : vector<16xi32>
      %add3A_54 = arith.addi %add3A_50, %shift_right_arithmetic3A_53 : vector<16xi32>
      %swap3A_55 = arith.index_cast %scan3A_16 : i32 to index
      %swap3A_56 = arith.constant 16 : index
      %swap3A_57 = tpu.vector_load %arg5[%swap3A_55, %swap3A_56] {strides = array<i32>} : memref<104x128xi32, #tpu.memory_space<vmem>>, vector<1x16xi32>,
      %swap3A_58 = vector.shape_cast %swap3A_57 : vector<1x16xi32> to vector<16xi32>
      %swap3A_59 = vector.shape_cast %add3A_54 : vector<16xi32> to vector<1x16xi32>
      tpu.vector_store %arg5[%swap3A_55, %swap3A_56], %swap3A_59 {strides = array<i32>} : memref<104x128xi32, #tpu.memory_space<vmem>>, vector<1x16xi32>,
      %get3A_60 = arith.index_cast %scan3A_16 : i32 to index
      %get3A_61 = arith.constant 32 : index
      %get3A_62 = tpu.vector_load %arg5[%get3A_60, %get3A_61] {strides = array<i32>} : memref<104x128xi32, #tpu.memory_space<vmem>>, vector<1x16xi32>,
      %get3A_63 = vector.shape_cast %get3A_62 : vector<1x16xi32> to vector<16xi32>
      %and3A_64 = arith.constant 16383 : i32
      %and3A_65 = vector.broadcast %and3A_64 : i32 to vector<16xi32>
      %and3A_66 = arith.andi %get3A_63, %and3A_65 : vector<16xi32>
      %sub3A_67 = arith.subi %get3A_63, %and3A_66 : vector<16xi32>
      %and3A_68 = arith.constant 4095 : i32
      %and3A_69 = vector.broadcast %and3A_68 : i32 to vector<16xi32>
      %and3A_70 = arith.andi %and3A_66, %and3A_69 : vector<16xi32>
      %shift_left3A_71 = arith.constant 2 : i32
      %shift_left3A_72 = vector.broadcast %shift_left3A_71 : i32 to vector<16xi32>
      %shift_left3A_73 = arith.shli %and3A_70, %shift_left3A_72 : vector<16xi32>
      %add3A_74 = arith.addi %sub3A_67, %shift_left3A_73 : vector<16xi32>
      %shift_right_arithmetic3A_75 = arith.constant 12 : i32
      %shift_right_arithmetic3A_76 = vector.broadcast %shift_right_arithmetic3A_75 : i32 to vector<16xi32>
      %shift_right_arithmetic3A_77 = arith.shrsi %and3A_66, %shift_right_arithmetic3A_76 : vector<16xi32>
      %add3A_78 = arith.addi %add3A_74, %shift_right_arithmetic3A_77 : vector<16xi32>
      %swap3A_79 = arith.index_cast %scan3A_16 : i32 to index
      %swap3A_80 = arith.constant 32 : index
      %swap3A_81 = tpu.vector_load %arg5[%swap3A_79, %swap3A_80] {strides = array<i32>} : memref<104x128xi32, #tpu.memory_space<vmem>>, vector<1x16xi32>,
      %swap3A_82 = vector.shape_cast %swap3A_81 : vector<1x16xi32> to vector<16xi32>
      %swap3A_83 = vector.shape_cast %add3A_78 : vector<16xi32> to vector<1x16xi32>
      tpu.vector_store %arg5[%swap3A_79, %swap3A_80], %swap3A_83 {strides = array<i32>} : memref<104x128xi32, #tpu.memory_space<vmem>>, vector<1x16xi32>,
      %get3A_84 = arith.index_cast %scan3A_16 : i32 to index
      %get3A_85 = arith.constant 48 : index
      %get3A_86 = tpu.vector_load %arg5[%get3A_84, %get3A_85] {strides = array<i32>} : memref<104x128xi32, #tpu.memory_space<vmem>>, vector<1x16xi32>,
      %get3A_87 = vector.shape_cast %get3A_86 : vector<1x16xi32> to vector<16xi32>
      %and3A_88 = arith.constant 16383 : i32
      %and3A_89 = vector.broadcast %and3A_88 : i32 to vector<16xi32>
      %and3A_90 = arith.andi %get3A_87, %and3A_89 : vector<16xi32>
      %sub3A_91 = arith.subi %get3A_87, %and3A_90 : vector<16xi32>
      %and3A_92 = arith.constant 4095 : i32
      %and3A_93 = vector.broadcast %and3A_92 : i32 to vector<16xi32>
      %and3A_94 = arith.andi %and3A_90, %and3A_93 : vector<16xi32>
      %shift_left3A_95 = arith.constant 2 : i32
      %shift_left3A_96 = vector.broadcast %shift_left3A_95 : i32 to vector<16xi32>
      %shift_left3A_97 = arith.shli %and3A_94, %shift_left3A_96 : vector<16xi32>
      %add3A_98 = arith.addi %sub3A_91, %shift_left3A_97 : vector<16xi32>
      %shift_right_arithmetic3A_99 = arith.constant 12 : i32
      %shift_right_arithmetic3A_100 = vector.broadcast %shift_right_arithmetic3A_99 : i32 to vector<16xi32>
      %shift_right_arithmetic3A_101 = arith.shrsi %and3A_90, %shift_right_arithmetic3A_100 : vector<16xi32>
      %add3A_102 = arith.addi %add3A_98, %shift_right_arithmetic3A_101 : vector<16xi32>
      %swap3A_103 = arith.index_cast %scan3A_16 : i32 to index
      %swap3A_104 = arith.constant 48 : index
      %swap3A_105 = tpu.vector_load %arg5[%swap3A_103, %swap3A_104] {strides = array<i32>} : memref<104x128xi32, #tpu.memory_space<vmem>>, vector<1x16xi32>,
      %swap3A_106 = vector.shape_cast %swap3A_105 : vector<1x16xi32> to vector<16xi32>
      %swap3A_107 = vector.shape_cast %add3A_102 : vector<16xi32> to vector<1x16xi32>
      tpu.vector_store %arg5[%swap3A_103, %swap3A_104], %swap3A_107 {strides = array<i32>} : memref<104x128xi32, #tpu.memory_space<vmem>>, vector<1x16xi32>,
      %get3A_108 = arith.index_cast %scan3A_16 : i32 to index
      %get3A_109 = arith.constant 64 : index
      %get3A_110 = tpu.vector_load %arg5[%get3A_108, %get3A_109] {strides = array<i32>} : memref<104x128xi32, #tpu.memory_space<vmem>>, vector<1x16xi32>,
      %get3A_111 = vector.shape_cast %get3A_110 : vector<1x16xi32> to vector<16xi32>
      %and3A_112 = arith.constant 16383 : i32
      %and3A_113 = vector.broadcast %and3A_112 : i32 to vector<16xi32>
      %and3A_114 = arith.andi %get3A_111, %and3A_113 : vector<16xi32>
      %sub3A_115 = arith.subi %get3A_111, %and3A_114 : vector<16xi32>
      %and3A_116 = arith.constant 4095 : i32
      %and3A_117 = vector.broadcast %and3A_116 : i32 to vector<16xi32>
      %and3A_118 = arith.andi %and3A_114, %and3A_117 : vector<16xi32>
      %shift_left3A_119 = arith.constant 2 : i32
      %shift_left3A_120 = vector.broadcast %shift_left3A_119 : i32 to vector<16xi32>
      %shift_left3A_121 = arith.shli %and3A_118, %shift_left3A_120 : vector<16xi32>
      %add3A_122 = arith.addi %sub3A_115, %shift_left3A_121 : vector<16xi32>
      %shift_right_arithmetic3A_123 = arith.constant 12 : i32
      %shift_right_arithmetic3A_124 = vector.broadcast %shift_right_arithmetic3A_123 : i32 to vector<16xi32>
      %shift_right_arithmetic3A_125 = arith.shrsi %and3A_114, %shift_right_arithmetic3A_124 : vector<16xi32>
      %add3A_126 = arith.addi %add3A_122, %shift_right_arithmetic3A_125 : vector<16xi32>
      %swap3A_127 = arith.index_cast %scan3A_16 : i32 to index
      %swap3A_128 = arith.constant 64 : index
      %swap3A_129 = tpu.vector_load %arg5[%swap3A_127, %swap3A_128] {strides = array<i32>} : memref<104x128xi32, #tpu.memory_space<vmem>>, vector<1x16xi32>,
      %swap3A_130 = vector.shape_cast %swap3A_129 : vector<1x16xi32> to vector<16xi32>
      %swap3A_131 = vector.shape_cast %add3A_126 : vector<16xi32> to vector<1x16xi32>
      tpu.vector_store %arg5[%swap3A_127, %swap3A_128], %swap3A_131 {strides = array<i32>} : memref<104x128xi32, #tpu.memory_space<vmem>>, vector<1x16xi32>,
      %get3A_132 = arith.index_cast %scan3A_16 : i32 to index
      %get3A_133 = arith.constant 80 : index
      %get3A_134 = tpu.vector_load %arg5[%get3A_132, %get3A_133] {strides = array<i32>} : memref<104x128xi32, #tpu.memory_space<vmem>>, vector<1x16xi32>,
      %get3A_135 = vector.shape_cast %get3A_134 : vector<1x16xi32> to vector<16xi32>
      %and3A_136 = arith.constant 16383 : i32
      %and3A_137 = vector.broadcast %and3A_136 : i32 to vector<16xi32>
      %and3A_138 = arith.andi %get3A_135, %and3A_137 : vector<16xi32>
      %sub3A_139 = arith.subi %get3A_135, %and3A_138 : vector<16xi32>
      %and3A_140 = arith.constant 4095 : i32
      %and3A_141 = vector.broadcast %and3A_140 : i32 to vector<16xi32>
      %and3A_142 = arith.andi %and3A_138, %and3A_141 : vector<16xi32>
      %shift_left3A_143 = arith.constant 2 : i32
      %shift_left3A_144 = vector.broadcast %shift_left3A_143 : i32 to vector<16xi32>
      %shift_left3A_145 = arith.shli %and3A_142, %shift_left3A_144 : vector<16xi32>
      %add3A_146 = arith.addi %sub3A_139, %shift_left3A_145 : vector<16xi32>
      %shift_right_arithmetic3A_147 = arith.constant 12 : i32
      %shift_right_arithmetic3A_148 = vector.broadcast %shift_right_arithmetic3A_147 : i32 to vector<16xi32>
      %shift_right_arithmetic3A_149 = arith.shrsi %and3A_138, %shift_right_arithmetic3A_148 : vector<16xi32>
      %add3A_150 = arith.addi %add3A_146, %shift_right_arithmetic3A_149 : vector<16xi32>
      %swap3A_151 = arith.index_cast %scan3A_16 : i32 to index
      %swap3A_152 = arith.constant 80 : index
      %swap3A_153 = tpu.vector_load %arg5[%swap3A_151, %swap3A_152] {strides = array<i32>} : memref<104x128xi32, #tpu.memory_space<vmem>>, vector<1x16xi32>,
      %swap3A_154 = vector.shape_cast %swap3A_153 : vector<1x16xi32> to vector<16xi32>
      %swap3A_155 = vector.shape_cast %add3A_150 : vector<16xi32> to vector<1x16xi32>
      tpu.vector_store %arg5[%swap3A_151, %swap3A_152], %swap3A_155 {strides = array<i32>} : memref<104x128xi32, #tpu.memory_space<vmem>>, vector<1x16xi32>,
      %get3A_156 = arith.index_cast %scan3A_16 : i32 to index
      %get3A_157 = arith.constant 96 : index
      %get3A_158 = tpu.vector_load %arg5[%get3A_156, %get3A_157] {strides = array<i32>} : memref<104x128xi32, #tpu.memory_space<vmem>>, vector<1x16xi32>,
      %get3A_159 = vector.shape_cast %get3A_158 : vector<1x16xi32> to vector<16xi32>
      %and3A_160 = arith.constant 16383 : i32
      %and3A_161 = vector.broadcast %and3A_160 : i32 to vector<16xi32>
      %and3A_162 = arith.andi %get3A_159, %and3A_161 : vector<16xi32>
      %sub3A_163 = arith.subi %get3A_159, %and3A_162 : vector<16xi32>
      %and3A_164 = arith.constant 4095 : i32
      %and3A_165 = vector.broadcast %and3A_164 : i32 to vector<16xi32>
      %and3A_166 = arith.andi %and3A_162, %and3A_165 : vector<16xi32>
      %shift_left3A_167 = arith.constant 2 : i32
      %shift_left3A_168 = vector.broadcast %shift_left3A_167 : i32 to vector<16xi32>
      %shift_left3A_169 = arith.shli %and3A_166, %shift_left3A_168 : vector<16xi32>
      %add3A_170 = arith.addi %sub3A_163, %shift_left3A_169 : vector<16xi32>
      %shift_right_arithmetic3A_171 = arith.constant 12 : i32
      %shift_right_arithmetic3A_172 = vector.broadcast %shift_right_arithmetic3A_171 : i32 to vector<16xi32>
      %shift_right_arithmetic3A_173 = arith.shrsi %and3A_162, %shift_right_arithmetic3A_172 : vector<16xi32>
      %add3A_174 = arith.addi %add3A_170, %shift_right_arithmetic3A_173 : vector<16xi32>
      %swap3A_175 = arith.index_cast %scan3A_16 : i32 to index
      %swap3A_176 = arith.constant 96 : index
      %swap3A_177 = tpu.vector_load %arg5[%swap3A_175, %swap3A_176] {strides = array<i32>} : memref<104x128xi32, #tpu.memory_space<vmem>>, vector<1x16xi32>,
      %swap3A_178 = vector.shape_cast %swap3A_177 : vector<1x16xi32> to vector<16xi32>
      %swap3A_179 = vector.shape_cast %add3A_174 : vector<16xi32> to vector<1x16xi32>
      tpu.vector_store %arg5[%swap3A_175, %swap3A_176], %swap3A_179 {strides = array<i32>} : memref<104x128xi32, #tpu.memory_space<vmem>>, vector<1x16xi32>,
      %get3A_180 = arith.index_cast %scan3A_16 : i32 to index
      %get3A_181 = arith.constant 112 : index
      %get3A_182 = tpu.vector_load %arg5[%get3A_180, %get3A_181] {strides = array<i32>} : memref<104x128xi32, #tpu.memory_space<vmem>>, vector<1x16xi32>,
      %get3A_183 = vector.shape_cast %get3A_182 : vector<1x16xi32> to vector<16xi32>
      %and3A_184 = arith.constant 16383 : i32
      %and3A_185 = vector.broadcast %and3A_184 : i32 to vector<16xi32>
      %and3A_186 = arith.andi %get3A_183, %and3A_185 : vector<16xi32>
      %sub3A_187 = arith.subi %get3A_183, %and3A_186 : vector<16xi32>
      %and3A_188 = arith.constant 4095 : i32
      %and3A_189 = vector.broadcast %and3A_188 : i32 to vector<16xi32>
      %and3A_190 = arith.andi %and3A_186, %and3A_189 : vector<16xi32>
      %shift_left3A_191 = arith.constant 2 : i32
      %shift_left3A_192 = vector.broadcast %shift_left3A_191 : i32 to vector<16xi32>
      %shift_left3A_193 = arith.shli %and3A_190, %shift_left3A_192 : vector<16xi32>
      %add3A_194 = arith.addi %sub3A_187, %shift_left3A_193 : vector<16xi32>
      %shift_right_arithmetic3A_195 = arith.constant 12 : i32
      %shift_right_arithmetic3A_196 = vector.broadcast %shift_right_arithmetic3A_195 : i32 to vector<16xi32>
      %shift_right_arithmetic3A_197 = arith.shrsi %and3A_186, %shift_right_arithmetic3A_196 : vector<16xi32>
      %add3A_198 = arith.addi %add3A_194, %shift_right_arithmetic3A_197 : vector<16xi32>
      %swap3A_199 = arith.index_cast %scan3A_16 : i32 to index
      %swap3A_200 = arith.constant 112 : index
      %swap3A_201 = tpu.vector_load %arg5[%swap3A_199, %swap3A_200] {strides = array<i32>} : memref<104x128xi32, #tpu.memory_space<vmem>>, vector<1x16xi32>,
      %swap3A_202 = vector.shape_cast %swap3A_201 : vector<1x16xi32> to vector<16xi32>
      %swap3A_203 = vector.shape_cast %add3A_198 : vector<16xi32> to vector<1x16xi32>
      tpu.vector_store %arg5[%swap3A_199, %swap3A_200], %swap3A_203 {strides = array<i32>} : memref<104x128xi32, #tpu.memory_space<vmem>>, vector<1x16xi32>,
      %scan3A_204 = arith.constant 0 : i32
      scf.yield %scan3A_204 : i32
    }
    %scan3A_8 = arith.constant 104 : i32
    %scan3A_9 = arith.constant 0 : i32
    %scan3A_10 = arith.constant 0 : i32
    %scan3A_11 = arith.constant 13 : i32
    %scan3A_12 = arith.addi %scan3A_10, %scan3A_11 : i32
    %scan3A_13 = arith.constant 1 : i32
    %scan3A_14 = scf.for %scan3A_16 = %scan3A_10 to %scan3A_12 step %scan3A_13 iter_args(%scan3A_17 = %scan3A_9) -> (i32)  : i32 {
      %mul3A_18 = arith.constant 8 : i32
      %mul3A_19 = arith.muli %scan3A_16, %mul3A_18 : i32
      %add3A_20 = arith.constant 0 : i32
      %add3A_21 = arith.addi %mul3A_19, %add3A_20 : i32
      %dma_start3A = arith.constant 0 : i32
      %dma_start3A_22 = arith.constant 0 : i32
      %dma_start3A_23 = tpu.memref_slice %arg6[%dma_start3A, %dma_start3A_22] : memref<1024x32xf32, #tpu.memory_space<vmem>> -> memref<128x32xf32, #tpu.memory_space<vmem>>
      %dma_start3A_24 = arith.constant 0 : i32
      %dma_start3A_25 = tpu.memref_slice %arg5[%add3A_21, %dma_start3A_24] : memref<104x128xi32, #tpu.memory_space<vmem>> -> memref<1x128xi32, #tpu.memory_space<vmem>>
      %dma_start3A_26 = tpu.memref_squeeze %dma_start3A_25 : memref<1x128xi32, #tpu.memory_space<vmem>> -> memref<128xi32, #tpu.memory_space<vmem>>
      %dma_start3A_27 = arith.constant 0 : i32
      %dma_start3A_28 = arith.constant 0 : i32
      %dma_start3A_29 = tpu.memref_slice %arg3[%dma_start3A_27, %dma_start3A_28] : memref<1015808x32xf32, #tpu.memory_space<hbm>> -> memref<1015808x32xf32, #tpu.memory_space<hbm>>
      tpu.enqueue_indirect_dma source(%dma_start3A_29 : memref<1015808x32xf32, #tpu.memory_space<hbm>>) target(%dma_start3A_23 : memref<128x32xf32, #tpu.memory_space<vmem>>) offsets(%dma_start3A_26 : memref<128xi32, #tpu.memory_space<vmem>>) semaphore(%arg7 : memref<!tpu.dma_semaphore, #tpu.memory_space<semaphore_mem>>)
      %mul3A_30 = arith.constant 8 : i32
      %mul3A_31 = arith.muli %scan3A_16, %mul3A_30 : i32
      %add3A_32 = arith.constant 1 : i32
      %add3A_33 = arith.addi %mul3A_31, %add3A_32 : i32
      %dma_start3A_34 = arith.constant 128 : i32
      %dma_start3A_35 = arith.constant 0 : i32
      %dma_start3A_36 = tpu.memref_slice %arg6[%dma_start3A_34, %dma_start3A_35] : memref<1024x32xf32, #tpu.memory_space<vmem>> -> memref<128x32xf32, #tpu.memory_space<vmem>>
      %dma_start3A_37 = arith.constant 0 : i32
      %dma_start3A_38 = tpu.memref_slice %arg5[%add3A_33, %dma_start3A_37] : memref<104x128xi32, #tpu.memory_space<vmem>> -> memref<1x128xi32, #tpu.memory_space<vmem>>
      %dma_start3A_39 = tpu.memref_squeeze %dma_start3A_38 : memref<1x128xi32, #tpu.memory_space<vmem>> -> memref<128xi32, #tpu.memory_space<vmem>>
      %dma_start3A_40 = arith.constant 0 : i32
      %dma_start3A_41 = arith.constant 0 : i32
      %dma_start3A_42 = tpu.memref_slice %arg3[%dma_start3A_40, %dma_start3A_41] : memref<1015808x32xf32, #tpu.memory_space<hbm>> -> memref<1015808x32xf32, #tpu.memory_space<hbm>>
      tpu.enqueue_indirect_dma source(%dma_start3A_42 : memref<1015808x32xf32, #tpu.memory_space<hbm>>) target(%dma_start3A_36 : memref<128x32xf32, #tpu.memory_space<vmem>>) offsets(%dma_start3A_39 : memref<128xi32, #tpu.memory_space<vmem>>) semaphore(%arg7 : memref<!tpu.dma_semaphore, #tpu.memory_space<semaphore_mem>>)
      %mul3A_43 = arith.constant 8 : i32
      %mul3A_44 = arith.muli %scan3A_16, %mul3A_43 : i32
      %add3A_45 = arith.constant 2 : i32
      %add3A_46 = arith.addi %mul3A_44, %add3A_45 : i32
      %dma_start3A_47 = arith.constant 256 : i32
      %dma_start3A_48 = arith.constant 0 : i32
      %dma_start3A_49 = tpu.memref_slice %arg6[%dma_start3A_47, %dma_start3A_48] : memref<1024x32xf32, #tpu.memory_space<vmem>> -> memref<128x32xf32, #tpu.memory_space<vmem>>
      %dma_start3A_50 = arith.constant 0 : i32
      %dma_start3A_51 = tpu.memref_slice %arg5[%add3A_46, %dma_start3A_50] : memref<104x128xi32, #tpu.memory_space<vmem>> -> memref<1x128xi32, #tpu.memory_space<vmem>>
      %dma_start3A_52 = tpu.memref_squeeze %dma_start3A_51 : memref<1x128xi32, #tpu.memory_space<vmem>> -> memref<128xi32, #tpu.memory_space<vmem>>
      %dma_start3A_53 = arith.constant 0 : i32
      %dma_start3A_54 = arith.constant 0 : i32
      %dma_start3A_55 = tpu.memref_slice %arg3[%dma_start3A_53, %dma_start3A_54] : memref<1015808x32xf32, #tpu.memory_space<hbm>> -> memref<1015808x32xf32, #tpu.memory_space<hbm>>
      tpu.enqueue_indirect_dma source(%dma_start3A_55 : memref<1015808x32xf32, #tpu.memory_space<hbm>>) target(%dma_start3A_49 : memref<128x32xf32, #tpu.memory_space<vmem>>) offsets(%dma_start3A_52 : memref<128xi32, #tpu.memory_space<vmem>>) semaphore(%arg7 : memref<!tpu.dma_semaphore, #tpu.memory_space<semaphore_mem>>)
      %mul3A_56 = arith.constant 8 : i32
      %mul3A_57 = arith.muli %scan3A_16, %mul3A_56 : i32
      %add3A_58 = arith.constant 3 : i32
      %add3A_59 = arith.addi %mul3A_57, %add3A_58 : i32
      %dma_start3A_60 = arith.constant 384 : i32
      %dma_start3A_61 = arith.constant 0 : i32
      %dma_start3A_62 = tpu.memref_slice %arg6[%dma_start3A_60, %dma_start3A_61] : memref<1024x32xf32, #tpu.memory_space<vmem>> -> memref<128x32xf32, #tpu.memory_space<vmem>>
      %dma_start3A_63 = arith.constant 0 : i32
      %dma_start3A_64 = tpu.memref_slice %arg5[%add3A_59, %dma_start3A_63] : memref<104x128xi32, #tpu.memory_space<vmem>> -> memref<1x128xi32, #tpu.memory_space<vmem>>
      %dma_start3A_65 = tpu.memref_squeeze %dma_start3A_64 : memref<1x128xi32, #tpu.memory_space<vmem>> -> memref<128xi32, #tpu.memory_space<vmem>>
      %dma_start3A_66 = arith.constant 0 : i32
      %dma_start3A_67 = arith.constant 0 : i32
      %dma_start3A_68 = tpu.memref_slice %arg3[%dma_start3A_66, %dma_start3A_67] : memref<1015808x32xf32, #tpu.memory_space<hbm>> -> memref<1015808x32xf32, #tpu.memory_space<hbm>>
      tpu.enqueue_indirect_dma source(%dma_start3A_68 : memref<1015808x32xf32, #tpu.memory_space<hbm>>) target(%dma_start3A_62 : memref<128x32xf32, #tpu.memory_space<vmem>>) offsets(%dma_start3A_65 : memref<128xi32, #tpu.memory_space<vmem>>) semaphore(%arg7 : memref<!tpu.dma_semaphore, #tpu.memory_space<semaphore_mem>>)
      %mul3A_69 = arith.constant 8 : i32
      %mul3A_70 = arith.muli %scan3A_16, %mul3A_69 : i32
      %add3A_71 = arith.constant 4 : i32
      %add3A_72 = arith.addi %mul3A_70, %add3A_71 : i32
      %dma_start3A_73 = arith.constant 512 : i32
      %dma_start3A_74 = arith.constant 0 : i32
      %dma_start3A_75 = tpu.memref_slice %arg6[%dma_start3A_73, %dma_start3A_74] : memref<1024x32xf32, #tpu.memory_space<vmem>> -> memref<128x32xf32, #tpu.memory_space<vmem>>
      %dma_start3A_76 = arith.constant 0 : i32
      %dma_start3A_77 = tpu.memref_slice %arg5[%add3A_72, %dma_start3A_76] : memref<104x128xi32, #tpu.memory_space<vmem>> -> memref<1x128xi32, #tpu.memory_space<vmem>>
      %dma_start3A_78 = tpu.memref_squeeze %dma_start3A_77 : memref<1x128xi32, #tpu.memory_space<vmem>> -> memref<128xi32, #tpu.memory_space<vmem>>
      %dma_start3A_79 = arith.constant 0 : i32
      %dma_start3A_80 = arith.constant 0 : i32
      %dma_start3A_81 = tpu.memref_slice %arg3[%dma_start3A_79, %dma_start3A_80] : memref<1015808x32xf32, #tpu.memory_space<hbm>> -> memref<1015808x32xf32, #tpu.memory_space<hbm>>
      tpu.enqueue_indirect_dma source(%dma_start3A_81 : memref<1015808x32xf32, #tpu.memory_space<hbm>>) target(%dma_start3A_75 : memref<128x32xf32, #tpu.memory_space<vmem>>) offsets(%dma_start3A_78 : memref<128xi32, #tpu.memory_space<vmem>>) semaphore(%arg7 : memref<!tpu.dma_semaphore, #tpu.memory_space<semaphore_mem>>)
      %mul3A_82 = arith.constant 8 : i32
      %mul3A_83 = arith.muli %scan3A_16, %mul3A_82 : i32
      %add3A_84 = arith.constant 5 : i32
      %add3A_85 = arith.addi %mul3A_83, %add3A_84 : i32
      %dma_start3A_86 = arith.constant 640 : i32
      %dma_start3A_87 = arith.constant 0 : i32
      %dma_start3A_88 = tpu.memref_slice %arg6[%dma_start3A_86, %dma_start3A_87] : memref<1024x32xf32, #tpu.memory_space<vmem>> -> memref<128x32xf32, #tpu.memory_space<vmem>>
      %dma_start3A_89 = arith.constant 0 : i32
      %dma_start3A_90 = tpu.memref_slice %arg5[%add3A_85, %dma_start3A_89] : memref<104x128xi32, #tpu.memory_space<vmem>> -> memref<1x128xi32, #tpu.memory_space<vmem>>
      %dma_start3A_91 = tpu.memref_squeeze %dma_start3A_90 : memref<1x128xi32, #tpu.memory_space<vmem>> -> memref<128xi32, #tpu.memory_space<vmem>>
      %dma_start3A_92 = arith.constant 0 : i32
      %dma_start3A_93 = arith.constant 0 : i32
      %dma_start3A_94 = tpu.memref_slice %arg3[%dma_start3A_92, %dma_start3A_93] : memref<1015808x32xf32, #tpu.memory_space<hbm>> -> memref<1015808x32xf32, #tpu.memory_space<hbm>>
      tpu.enqueue_indirect_dma source(%dma_start3A_94 : memref<1015808x32xf32, #tpu.memory_space<hbm>>) target(%dma_start3A_88 : memref<128x32xf32, #tpu.memory_space<vmem>>) offsets(%dma_start3A_91 : memref<128xi32, #tpu.memory_space<vmem>>) semaphore(%arg7 : memref<!tpu.dma_semaphore, #tpu.memory_space<semaphore_mem>>)
      %mul3A_95 = arith.constant 8 : i32
      %mul3A_96 = arith.muli %scan3A_16, %mul3A_95 : i32
      %add3A_97 = arith.constant 6 : i32
      %add3A_98 = arith.addi %mul3A_96, %add3A_97 : i32
      %dma_start3A_99 = arith.constant 768 : i32
      %dma_start3A_100 = arith.constant 0 : i32
      %dma_start3A_101 = tpu.memref_slice %arg6[%dma_start3A_99, %dma_start3A_100] : memref<1024x32xf32, #tpu.memory_space<vmem>> -> memref<128x32xf32, #tpu.memory_space<vmem>>
      %dma_start3A_102 = arith.constant 0 : i32
      %dma_start3A_103 = tpu.memref_slice %arg5[%add3A_98, %dma_start3A_102] : memref<104x128xi32, #tpu.memory_space<vmem>> -> memref<1x128xi32, #tpu.memory_space<vmem>>
      %dma_start3A_104 = tpu.memref_squeeze %dma_start3A_103 : memref<1x128xi32, #tpu.memory_space<vmem>> -> memref<128xi32, #tpu.memory_space<vmem>>
      %dma_start3A_105 = arith.constant 0 : i32
      %dma_start3A_106 = arith.constant 0 : i32
      %dma_start3A_107 = tpu.memref_slice %arg3[%dma_start3A_105, %dma_start3A_106] : memref<1015808x32xf32, #tpu.memory_space<hbm>> -> memref<1015808x32xf32, #tpu.memory_space<hbm>>
      tpu.enqueue_indirect_dma source(%dma_start3A_107 : memref<1015808x32xf32, #tpu.memory_space<hbm>>) target(%dma_start3A_101 : memref<128x32xf32, #tpu.memory_space<vmem>>) offsets(%dma_start3A_104 : memref<128xi32, #tpu.memory_space<vmem>>) semaphore(%arg7 : memref<!tpu.dma_semaphore, #tpu.memory_space<semaphore_mem>>)
      %mul3A_108 = arith.constant 8 : i32
      %mul3A_109 = arith.muli %scan3A_16, %mul3A_108 : i32
      %add3A_110 = arith.constant 7 : i32
      %add3A_111 = arith.addi %mul3A_109, %add3A_110 : i32
      %dma_start3A_112 = arith.constant 896 : i32
      %dma_start3A_113 = arith.constant 0 : i32
      %dma_start3A_114 = tpu.memref_slice %arg6[%dma_start3A_112, %dma_start3A_113] : memref<1024x32xf32, #tpu.memory_space<vmem>> -> memref<128x32xf32, #tpu.memory_space<vmem>>
      %dma_start3A_115 = arith.constant 0 : i32
      %dma_start3A_116 = tpu.memref_slice %arg5[%add3A_111, %dma_start3A_115] : memref<104x128xi32, #tpu.memory_space<vmem>> -> memref<1x128xi32, #tpu.memory_space<vmem>>
      %dma_start3A_117 = tpu.memref_squeeze %dma_start3A_116 : memref<1x128xi32, #tpu.memory_space<vmem>> -> memref<128xi32, #tpu.memory_space<vmem>>
      %dma_start3A_118 = arith.constant 0 : i32
      %dma_start3A_119 = arith.constant 0 : i32
      %dma_start3A_120 = tpu.memref_slice %arg3[%dma_start3A_118, %dma_start3A_119] : memref<1015808x32xf32, #tpu.memory_space<hbm>> -> memref<1015808x32xf32, #tpu.memory_space<hbm>>
      tpu.enqueue_indirect_dma source(%dma_start3A_120 : memref<1015808x32xf32, #tpu.memory_space<hbm>>) target(%dma_start3A_114 : memref<128x32xf32, #tpu.memory_space<vmem>>) offsets(%dma_start3A_117 : memref<128xi32, #tpu.memory_space<vmem>>) semaphore(%arg7 : memref<!tpu.dma_semaphore, #tpu.memory_space<semaphore_mem>>)
      %dma_wait3A = arith.constant 0 : i32
      %dma_wait3A_121 = arith.constant 0 : i32
      %dma_wait3A_122 = tpu.memref_slice %arg6[%dma_wait3A, %dma_wait3A_121] : memref<1024x32xf32, #tpu.memory_space<vmem>> -> memref<128x32xf32, #tpu.memory_space<vmem>>
      %dma_wait3A_123 = arith.constant 0 : i32
      %dma_wait3A_124 = tpu.memref_slice %arg5[%add3A_21, %dma_wait3A_123] : memref<104x128xi32, #tpu.memory_space<vmem>> -> memref<1x128xi32, #tpu.memory_space<vmem>>
      %dma_wait3A_125 = tpu.memref_squeeze %dma_wait3A_124 : memref<1x128xi32, #tpu.memory_space<vmem>> -> memref<128xi32, #tpu.memory_space<vmem>>
      %dma_wait3A_126 = arith.constant 0 : i32
      %dma_wait3A_127 = arith.constant 0 : i32
      %dma_wait3A_128 = tpu.memref_slice %arg3[%dma_wait3A_126, %dma_wait3A_127] : memref<1015808x32xf32, #tpu.memory_space<hbm>> -> memref<1015808x32xf32, #tpu.memory_space<hbm>>
      tpu.wait_indirect_dma semaphore(%arg7 : memref<!tpu.dma_semaphore, #tpu.memory_space<semaphore_mem>>) src(%dma_wait3A_128 : memref<1015808x32xf32, #tpu.memory_space<hbm>>) dst(%dma_wait3A_122 : memref<128x32xf32, #tpu.memory_space<vmem>>)
      %dma_wait3A_129 = arith.constant 128 : i32
      %dma_wait3A_130 = arith.constant 0 : i32
      %dma_wait3A_131 = tpu.memref_slice %arg6[%dma_wait3A_129, %dma_wait3A_130] : memref<1024x32xf32, #tpu.memory_space<vmem>> -> memref<128x32xf32, #tpu.memory_space<vmem>>
      %dma_wait3A_132 = arith.constant 0 : i32
      %dma_wait3A_133 = tpu.memref_slice %arg5[%add3A_33, %dma_wait3A_132] : memref<104x128xi32, #tpu.memory_space<vmem>> -> memref<1x128xi32, #tpu.memory_space<vmem>>
      %dma_wait3A_134 = tpu.memref_squeeze %dma_wait3A_133 : memref<1x128xi32, #tpu.memory_space<vmem>> -> memref<128xi32, #tpu.memory_space<vmem>>
      %dma_wait3A_135 = arith.constant 0 : i32
      %dma_wait3A_136 = arith.constant 0 : i32
      %dma_wait3A_137 = tpu.memref_slice %arg3[%dma_wait3A_135, %dma_wait3A_136] : memref<1015808x32xf32, #tpu.memory_space<hbm>> -> memref<1015808x32xf32, #tpu.memory_space<hbm>>
      tpu.wait_indirect_dma semaphore(%arg7 : memref<!tpu.dma_semaphore, #tpu.memory_space<semaphore_mem>>) src(%dma_wait3A_137 : memref<1015808x32xf32, #tpu.memory_space<hbm>>) dst(%dma_wait3A_131 : memref<128x32xf32, #tpu.memory_space<vmem>>)
      %dma_wait3A_138 = arith.constant 256 : i32
      %dma_wait3A_139 = arith.constant 0 : i32
      %dma_wait3A_140 = tpu.memref_slice %arg6[%dma_wait3A_138, %dma_wait3A_139] : memref<1024x32xf32, #tpu.memory_space<vmem>> -> memref<128x32xf32, #tpu.memory_space<vmem>>
      %dma_wait3A_141 = arith.constant 0 : i32
      %dma_wait3A_142 = tpu.memref_slice %arg5[%add3A_46, %dma_wait3A_141] : memref<104x128xi32, #tpu.memory_space<vmem>> -> memref<1x128xi32, #tpu.memory_space<vmem>>
      %dma_wait3A_143 = tpu.memref_squeeze %dma_wait3A_142 : memref<1x128xi32, #tpu.memory_space<vmem>> -> memref<128xi32, #tpu.memory_space<vmem>>
      %dma_wait3A_144 = arith.constant 0 : i32
      %dma_wait3A_145 = arith.constant 0 : i32
      %dma_wait3A_146 = tpu.memref_slice %arg3[%dma_wait3A_144, %dma_wait3A_145] : memref<1015808x32xf32, #tpu.memory_space<hbm>> -> memref<1015808x32xf32, #tpu.memory_space<hbm>>
      tpu.wait_indirect_dma semaphore(%arg7 : memref<!tpu.dma_semaphore, #tpu.memory_space<semaphore_mem>>) src(%dma_wait3A_146 : memref<1015808x32xf32, #tpu.memory_space<hbm>>) dst(%dma_wait3A_140 : memref<128x32xf32, #tpu.memory_space<vmem>>)
      %dma_wait3A_147 = arith.constant 384 : i32
      %dma_wait3A_148 = arith.constant 0 : i32
      %dma_wait3A_149 = tpu.memref_slice %arg6[%dma_wait3A_147, %dma_wait3A_148] : memref<1024x32xf32, #tpu.memory_space<vmem>> -> memref<128x32xf32, #tpu.memory_space<vmem>>
      %dma_wait3A_150 = arith.constant 0 : i32
      %dma_wait3A_151 = tpu.memref_slice %arg5[%add3A_59, %dma_wait3A_150] : memref<104x128xi32, #tpu.memory_space<vmem>> -> memref<1x128xi32, #tpu.memory_space<vmem>>
      %dma_wait3A_152 = tpu.memref_squeeze %dma_wait3A_151 : memref<1x128xi32, #tpu.memory_space<vmem>> -> memref<128xi32, #tpu.memory_space<vmem>>
      %dma_wait3A_153 = arith.constant 0 : i32
      %dma_wait3A_154 = arith.constant 0 : i32
      %dma_wait3A_155 = tpu.memref_slice %arg3[%dma_wait3A_153, %dma_wait3A_154] : memref<1015808x32xf32, #tpu.memory_space<hbm>> -> memref<1015808x32xf32, #tpu.memory_space<hbm>>
      tpu.wait_indirect_dma semaphore(%arg7 : memref<!tpu.dma_semaphore, #tpu.memory_space<semaphore_mem>>) src(%dma_wait3A_155 : memref<1015808x32xf32, #tpu.memory_space<hbm>>) dst(%dma_wait3A_149 : memref<128x32xf32, #tpu.memory_space<vmem>>)
      %dma_wait3A_156 = arith.constant 512 : i32
      %dma_wait3A_157 = arith.constant 0 : i32
      %dma_wait3A_158 = tpu.memref_slice %arg6[%dma_wait3A_156, %dma_wait3A_157] : memref<1024x32xf32, #tpu.memory_space<vmem>> -> memref<128x32xf32, #tpu.memory_space<vmem>>
      %dma_wait3A_159 = arith.constant 0 : i32
      %dma_wait3A_160 = tpu.memref_slice %arg5[%add3A_72, %dma_wait3A_159] : memref<104x128xi32, #tpu.memory_space<vmem>> -> memref<1x128xi32, #tpu.memory_space<vmem>>
      %dma_wait3A_161 = tpu.memref_squeeze %dma_wait3A_160 : memref<1x128xi32, #tpu.memory_space<vmem>> -> memref<128xi32, #tpu.memory_space<vmem>>
      %dma_wait3A_162 = arith.constant 0 : i32
      %dma_wait3A_163 = arith.constant 0 : i32
      %dma_wait3A_164 = tpu.memref_slice %arg3[%dma_wait3A_162, %dma_wait3A_163] : memref<1015808x32xf32, #tpu.memory_space<hbm>> -> memref<1015808x32xf32, #tpu.memory_space<hbm>>
      tpu.wait_indirect_dma semaphore(%arg7 : memref<!tpu.dma_semaphore, #tpu.memory_space<semaphore_mem>>) src(%dma_wait3A_164 : memref<1015808x32xf32, #tpu.memory_space<hbm>>) dst(%dma_wait3A_158 : memref<128x32xf32, #tpu.memory_space<vmem>>)
      %dma_wait3A_165 = arith.constant 640 : i32
      %dma_wait3A_166 = arith.constant 0 : i32
      %dma_wait3A_167 = tpu.memref_slice %arg6[%dma_wait3A_165, %dma_wait3A_166] : memref<1024x32xf32, #tpu.memory_space<vmem>> -> memref<128x32xf32, #tpu.memory_space<vmem>>
      %dma_wait3A_168 = arith.constant 0 : i32
      %dma_wait3A_169 = tpu.memref_slice %arg5[%add3A_85, %dma_wait3A_168] : memref<104x128xi32, #tpu.memory_space<vmem>> -> memref<1x128xi32, #tpu.memory_space<vmem>>
      %dma_wait3A_170 = tpu.memref_squeeze %dma_wait3A_169 : memref<1x128xi32, #tpu.memory_space<vmem>> -> memref<128xi32, #tpu.memory_space<vmem>>
      %dma_wait3A_171 = arith.constant 0 : i32
      %dma_wait3A_172 = arith.constant 0 : i32
      %dma_wait3A_173 = tpu.memref_slice %arg3[%dma_wait3A_171, %dma_wait3A_172] : memref<1015808x32xf32, #tpu.memory_space<hbm>> -> memref<1015808x32xf32, #tpu.memory_space<hbm>>
      tpu.wait_indirect_dma semaphore(%arg7 : memref<!tpu.dma_semaphore, #tpu.memory_space<semaphore_mem>>) src(%dma_wait3A_173 : memref<1015808x32xf32, #tpu.memory_space<hbm>>) dst(%dma_wait3A_167 : memref<128x32xf32, #tpu.memory_space<vmem>>)
      %dma_wait3A_174 = arith.constant 768 : i32
      %dma_wait3A_175 = arith.constant 0 : i32
      %dma_wait3A_176 = tpu.memref_slice %arg6[%dma_wait3A_174, %dma_wait3A_175] : memref<1024x32xf32, #tpu.memory_space<vmem>> -> memref<128x32xf32, #tpu.memory_space<vmem>>
      %dma_wait3A_177 = arith.constant 0 : i32
      %dma_wait3A_178 = tpu.memref_slice %arg5[%add3A_98, %dma_wait3A_177] : memref<104x128xi32, #tpu.memory_space<vmem>> -> memref<1x128xi32, #tpu.memory_space<vmem>>
      %dma_wait3A_179 = tpu.memref_squeeze %dma_wait3A_178 : memref<1x128xi32, #tpu.memory_space<vmem>> -> memref<128xi32, #tpu.memory_space<vmem>>
      %dma_wait3A_180 = arith.constant 0 : i32
      %dma_wait3A_181 = arith.constant 0 : i32
      %dma_wait3A_182 = tpu.memref_slice %arg3[%dma_wait3A_180, %dma_wait3A_181] : memref<1015808x32xf32, #tpu.memory_space<hbm>> -> memref<1015808x32xf32, #tpu.memory_space<hbm>>
      tpu.wait_indirect_dma semaphore(%arg7 : memref<!tpu.dma_semaphore, #tpu.memory_space<semaphore_mem>>) src(%dma_wait3A_182 : memref<1015808x32xf32, #tpu.memory_space<hbm>>) dst(%dma_wait3A_176 : memref<128x32xf32, #tpu.memory_space<vmem>>)
      %dma_wait3A_183 = arith.constant 896 : i32
      %dma_wait3A_184 = arith.constant 0 : i32
      %dma_wait3A_185 = tpu.memref_slice %arg6[%dma_wait3A_183, %dma_wait3A_184] : memref<1024x32xf32, #tpu.memory_space<vmem>> -> memref<128x32xf32, #tpu.memory_space<vmem>>
      %dma_wait3A_186 = arith.constant 0 : i32
      %dma_wait3A_187 = tpu.memref_slice %arg5[%add3A_111, %dma_wait3A_186] : memref<104x128xi32, #tpu.memory_space<vmem>> -> memref<1x128xi32, #tpu.memory_space<vmem>>
      %dma_wait3A_188 = tpu.memref_squeeze %dma_wait3A_187 : memref<1x128xi32, #tpu.memory_space<vmem>> -> memref<128xi32, #tpu.memory_space<vmem>>
      %dma_wait3A_189 = arith.constant 0 : i32
      %dma_wait3A_190 = arith.constant 0 : i32
      %dma_wait3A_191 = tpu.memref_slice %arg3[%dma_wait3A_189, %dma_wait3A_190] : memref<1015808x32xf32, #tpu.memory_space<hbm>> -> memref<1015808x32xf32, #tpu.memory_space<hbm>>
      tpu.wait_indirect_dma semaphore(%arg7 : memref<!tpu.dma_semaphore, #tpu.memory_space<semaphore_mem>>) src(%dma_wait3A_191 : memref<1015808x32xf32, #tpu.memory_space<hbm>>) dst(%dma_wait3A_185 : memref<128x32xf32, #tpu.memory_space<vmem>>)
      %mul3A_192 = arith.constant 13 : i32
      %mul3A_193 = arith.muli %add3A, %mul3A_192 : i32
      %add3A_194 = arith.addi %mul3A_193, %scan3A_16 : i32
      %jit3A = arith.constant 16 : i32
      %div3A = arith.divsi %add3A_194, %jit3A : i32
      %sign3A = arith.constant 0 : i32
      %sign3A_195 = arith.cmpi sgt, %add3A_194, %sign3A : i32
      %sign3A_196 = arith.extui %sign3A_195 : i1 to i32
      %sign3A_197 = arith.constant 0 : i32
      %sign3A_198 = arith.cmpi slt, %add3A_194, %sign3A_197 : i32
      %sign3A_199 = arith.extui %sign3A_198 : i1 to i32
      %sign3A_200 = arith.subi %sign3A_196, %sign3A_199 : i32
      %sign3A_201 = arith.constant 0 : i32
      %sign3A_202 = arith.cmpi sgt, %jit3A, %sign3A_201 : i32
      %sign3A_203 = arith.extui %sign3A_202 : i1 to i32
      %sign3A_204 = arith.constant 0 : i32
      %sign3A_205 = arith.cmpi slt, %jit3A, %sign3A_204 : i32
      %sign3A_206 = arith.extui %sign3A_205 : i1 to i32
      %sign3A_207 = arith.subi %sign3A_203, %sign3A_206 : i32
      %ne3A = arith.cmpi ne, %sign3A_200, %sign3A_207 : i32
      %rem3A = arith.remsi %add3A_194, %jit3A : i32
      %ne3A_208 = arith.constant 0 : i32
      %ne3A_209 = arith.cmpi ne, %rem3A, %ne3A_208 : i32
      %and3A = arith.andi %ne3A, %ne3A_209 : i1
      %sub3A = arith.constant 1 : i32
      %sub3A_210 = arith.subi %div3A, %sub3A : i32
      %select_n3A = arith.select %and3A, %sub3A_210, %div3A : i32
      %jit3A_211 = arith.constant 16 : i32
      %eq3A = arith.constant 0 : i32
      %eq3A_212 = arith.cmpi eq, %jit3A_211, %eq3A : i32
      %jit3A_213 = arith.constant 1 : i32
      %select_n3A_214 = arith.select %eq3A_212, %jit3A_213, %jit3A_211 : i32
      %rem3A_215 = arith.remsi %add3A_194, %select_n3A_214 : i32
      %ne3A_216 = arith.constant 0 : i32
      %ne3A_217 = arith.cmpi ne, %rem3A_215, %ne3A_216 : i32
      %lt3A = arith.constant 0 : i32
      %lt3A_218 = arith.cmpi slt, %rem3A_215, %lt3A : i32
      %lt3A_219 = arith.constant 0 : i32
      %lt3A_220 = arith.cmpi slt, %select_n3A_214, %lt3A_219 : i32
      %ne3A_221 = arith.xori %lt3A_218, %lt3A_220 : i1
      %and3A_222 = arith.andi %ne3A_221, %ne3A_217 : i1
      %add3A_223 = arith.addi %rem3A_215, %select_n3A_214 : i32
      %select_n3A_224 = arith.select %and3A_222, %add3A_223, %rem3A_215 : i32
      %jit3A_225 = arith.constant 4 : i32
      %div3A_226 = arith.divsi %select_n3A_224, %jit3A_225 : i32
      %sign3A_227 = arith.constant 0 : i32
      %sign3A_228 = arith.cmpi sgt, %select_n3A_224, %sign3A_227 : i32
      %sign3A_229 = arith.extui %sign3A_228 : i1 to i32
      %sign3A_230 = arith.constant 0 : i32
      %sign3A_231 = arith.cmpi slt, %select_n3A_224, %sign3A_230 : i32
      %sign3A_232 = arith.extui %sign3A_231 : i1 to i32
      %sign3A_233 = arith.subi %sign3A_229, %sign3A_232 : i32
      %sign3A_234 = arith.constant 0 : i32
      %sign3A_235 = arith.cmpi sgt, %jit3A_225, %sign3A_234 : i32
      %sign3A_236 = arith.extui %sign3A_235 : i1 to i32
      %sign3A_237 = arith.constant 0 : i32
      %sign3A_238 = arith.cmpi slt, %jit3A_225, %sign3A_237 : i32
      %sign3A_239 = arith.extui %sign3A_238 : i1 to i32
      %sign3A_240 = arith.subi %sign3A_236, %sign3A_239 : i32
      %ne3A_241 = arith.cmpi ne, %sign3A_233, %sign3A_240 : i32
      %rem3A_242 = arith.remsi %select_n3A_224, %jit3A_225 : i32
      %ne3A_243 = arith.constant 0 : i32
      %ne3A_244 = arith.cmpi ne, %rem3A_242, %ne3A_243 : i32
      %and3A_245 = arith.andi %ne3A_241, %ne3A_244 : i1
      %sub3A_246 = arith.constant 1 : i32
      %sub3A_247 = arith.subi %div3A_226, %sub3A_246 : i32
      %select_n3A_248 = arith.select %and3A_245, %sub3A_247, %div3A_226 : i32
      %mul3A_249 = arith.constant 4096 : i32
      %mul3A_250 = arith.muli %select_n3A, %mul3A_249 : i32
      %jit3A_251 = arith.constant 4 : i32
      %eq3A_252 = arith.constant 0 : i32
      %eq3A_253 = arith.cmpi eq, %jit3A_251, %eq3A_252 : i32
      %jit3A_254 = arith.constant 1 : i32
      %select_n3A_255 = arith.select %eq3A_253, %jit3A_254, %jit3A_251 : i32
      %rem3A_256 = arith.remsi %select_n3A_224, %select_n3A_255 : i32
      %ne3A_257 = arith.constant 0 : i32
      %ne3A_258 = arith.cmpi ne, %rem3A_256, %ne3A_257 : i32
      %lt3A_259 = arith.constant 0 : i32
      %lt3A_260 = arith.cmpi slt, %rem3A_256, %lt3A_259 : i32
      %lt3A_261 = arith.constant 0 : i32
      %lt3A_262 = arith.cmpi slt, %select_n3A_255, %lt3A_261 : i32
      %ne3A_263 = arith.xori %lt3A_260, %lt3A_262 : i1
      %and3A_264 = arith.andi %ne3A_263, %ne3A_258 : i1
      %add3A_265 = arith.addi %rem3A_256, %select_n3A_255 : i32
      %select_n3A_266 = arith.select %and3A_264, %add3A_265, %rem3A_256 : i32
      %mul3A_267 = arith.constant 1024 : i32
      %mul3A_268 = arith.muli %select_n3A_266, %mul3A_267 : i32
      %add3A_269 = arith.addi %mul3A_250, %mul3A_268 : i32
      %mul3A_270 = arith.constant 32 : i32
      %mul3A_271 = arith.muli %select_n3A_248, %mul3A_270 : i32
      "tpu.region"() ({
        %run_scoped3A = tpu.sem_alloc : memref<!tpu.dma_semaphore, #tpu.memory_space<semaphore_mem>>
        %dma_start3A_273 = tpu.memref_slice %arg4[%add3A_269, %mul3A_271] : memref<106496x128xf32, #tpu.memory_space<hbm>> -> memref<1024x32xf32, #tpu.memory_space<hbm>>
        %dma_start3A_274 = tpu.memref_slice %arg4[%add3A_269, %mul3A_271] : memref<106496x128xf32, #tpu.memory_space<hbm>> -> memref<1024x32xf32, #tpu.memory_space<hbm>>
        tpu.enqueue_dma source(%arg6 : memref<1024x32xf32, #tpu.memory_space<vmem>>) target(%dma_start3A_274 : memref<1024x32xf32, #tpu.memory_space<hbm>>) target_semaphore(%run_scoped3A : memref<!tpu.dma_semaphore, #tpu.memory_space<semaphore_mem>>)
        %dma_wait3A_275 = tpu.memref_slice %arg4[%add3A_269, %mul3A_271] : memref<106496x128xf32, #tpu.memory_space<hbm>> -> memref<1024x32xf32, #tpu.memory_space<hbm>>
        %dma_wait3A_276 = tpu.memref_slice %arg4[%add3A_269, %mul3A_271] : memref<106496x128xf32, #tpu.memory_space<hbm>> -> memref<1024x32xf32, #tpu.memory_space<hbm>>
        tpu.wait_dma2 semaphore(%run_scoped3A : memref<!tpu.dma_semaphore, #tpu.memory_space<semaphore_mem>>) src(%arg6 : memref<1024x32xf32, #tpu.memory_space<vmem>>) dst(%dma_wait3A_276 : memref<1024x32xf32, #tpu.memory_space<hbm>>)
        tpu.yield
      }) : () -> ()
      %scan3A_272 = arith.constant 0 : i32
      scf.yield %scan3A_272 : i32
    }
    %scan3A_15 = arith.constant 13 : i32
    return
  }
}

module attributes {stable_mosaic.version = 14 : i64} {
  func.func @_proj_body(%arg0: i32, %arg1: memref<1x4096x128xf32, #tpu.memory_space<vmem>>, %arg2: memref<64x32xf32, #tpu.memory_space<vmem>>, %arg3: memref<64x1xf32, #tpu.memory_space<vmem>>, %arg4: memref<1x64x16384xf32, #tpu.memory_space<vmem>>) attributes {dimension_semantics = [#tpu.dimension_semantics<arbitrary>], iteration_bounds = array<i64: 26>, scalar_prefetch = 0 : i64, scratch_operands = 0 : i64, tpu.core_type = #tpu.core_type<tc>, window_params = [{transform_indices = @transform_0, window_bounds = array<i64: 1, 4096, 128>}, {pipeline_mode = #tpu.pipeline_mode<synchronous>, transform_indices = @transform_1, window_bounds = array<i64: 64, 32>}, {pipeline_mode = #tpu.pipeline_mode<synchronous>, transform_indices = @transform_2, window_bounds = array<i64: 64, 1>}, {transform_indices = @transform_3, window_bounds = array<i64: 1, 64, 16384>}]} {
    %get3A = arith.constant 0 : index
    %get3A_0 = arith.constant 0 : index
    %get3A_1 = vector.load %arg2[%get3A, %get3A_0] : memref<64x32xf32, #tpu.memory_space<vmem>>, vector<64x32xf32>
    %get3A_2 = arith.constant 0 : index
    %get3A_3 = arith.constant 0 : index
    %get3A_4 = vector.load %arg3[%get3A_2, %get3A_3] : memref<64x1xf32, #tpu.memory_space<vmem>>, vector<64x1xf32>
    %get3A_5 = arith.constant 0 : index
    %get3A_6 = arith.constant 0 : index
    %get3A_7 = arith.constant 0 : index
    %get3A_8 = vector.load %arg1[%get3A_5, %get3A_6, %get3A_7] : memref<1x4096x128xf32, #tpu.memory_space<vmem>>, vector<1x4096x128xf32>
    %get3A_9 = vector.shape_cast %get3A_8 : vector<1x4096x128xf32> to vector<4096x128xf32>
    %slice3A = vector.extract_strided_slice %get3A_9 {offsets = [0, 0], sizes = [4096, 32], strides = [1, 1]} : vector<4096x128xf32> to vector<4096x32xf32>
    %dot_general3A = arith.constant dense<0.000000e+00> : vector<64x4096xf32>
    %dot_general3A_10 = tpu.matmul %get3A_1, %slice3A, %dot_general3A {dimension_numbers = #tpu.dot_dimension_numbers<[1], [1], [0], [0], [0, 0, 1, 0], [], []>, transpose_lhs_hint = false} : vector<64x32xf32>, vector<4096x32xf32>, vector<64x4096xf32> -> vector<64x4096xf32>
    %add3A = vector.broadcast %get3A_4 : vector<64x1xf32> to vector<64x4096xf32>
    %add3A_11 = arith.addf %dot_general3A_10, %add3A : vector<64x4096xf32>
    %swap3A = arith.constant 0 : index
    %swap3A_12 = arith.constant 0 : index
    %swap3A_13 = arith.constant 0 : index
    %swap3A_14 = vector.load %arg4[%swap3A, %swap3A_12, %swap3A_13] : memref<1x64x16384xf32, #tpu.memory_space<vmem>>, vector<1x64x4096xf32>
    %swap3A_15 = vector.shape_cast %swap3A_14 : vector<1x64x4096xf32> to vector<64x4096xf32>
    %swap3A_16 = vector.shape_cast %add3A_11 : vector<64x4096xf32> to vector<1x64x4096xf32>
    tpu.vector_store %arg4[%swap3A, %swap3A_12, %swap3A_13], %swap3A_16 {strides = array<i32>} : memref<1x64x16384xf32, #tpu.memory_space<vmem>>, vector<1x64x4096xf32>,
    %slice3A_17 = vector.extract_strided_slice %get3A_9 {offsets = [0, 32], sizes = [4096, 32], strides = [1, 1]} : vector<4096x128xf32> to vector<4096x32xf32>
    %dot_general3A_18 = arith.constant dense<0.000000e+00> : vector<64x4096xf32>
    %dot_general3A_19 = tpu.matmul %get3A_1, %slice3A_17, %dot_general3A_18 {dimension_numbers = #tpu.dot_dimension_numbers<[1], [1], [0], [0], [0, 0, 1, 0], [], []>, transpose_lhs_hint = false} : vector<64x32xf32>, vector<4096x32xf32>, vector<64x4096xf32> -> vector<64x4096xf32>
    %add3A_20 = vector.broadcast %get3A_4 : vector<64x1xf32> to vector<64x4096xf32>
    %add3A_21 = arith.addf %dot_general3A_19, %add3A_20 : vector<64x4096xf32>
    %swap3A_22 = arith.constant 0 : index
    %swap3A_23 = arith.constant 0 : index
    %swap3A_24 = arith.constant 4096 : index
    %swap3A_25 = vector.load %arg4[%swap3A_22, %swap3A_23, %swap3A_24] : memref<1x64x16384xf32, #tpu.memory_space<vmem>>, vector<1x64x4096xf32>
    %swap3A_26 = vector.shape_cast %swap3A_25 : vector<1x64x4096xf32> to vector<64x4096xf32>
    %swap3A_27 = vector.shape_cast %add3A_21 : vector<64x4096xf32> to vector<1x64x4096xf32>
    tpu.vector_store %arg4[%swap3A_22, %swap3A_23, %swap3A_24], %swap3A_27 {strides = array<i32>} : memref<1x64x16384xf32, #tpu.memory_space<vmem>>, vector<1x64x4096xf32>,
    %slice3A_28 = vector.extract_strided_slice %get3A_9 {offsets = [0, 64], sizes = [4096, 32], strides = [1, 1]} : vector<4096x128xf32> to vector<4096x32xf32>
    %dot_general3A_29 = arith.constant dense<0.000000e+00> : vector<64x4096xf32>
    %dot_general3A_30 = tpu.matmul %get3A_1, %slice3A_28, %dot_general3A_29 {dimension_numbers = #tpu.dot_dimension_numbers<[1], [1], [0], [0], [0, 0, 1, 0], [], []>, transpose_lhs_hint = false} : vector<64x32xf32>, vector<4096x32xf32>, vector<64x4096xf32> -> vector<64x4096xf32>
    %add3A_31 = vector.broadcast %get3A_4 : vector<64x1xf32> to vector<64x4096xf32>
    %add3A_32 = arith.addf %dot_general3A_30, %add3A_31 : vector<64x4096xf32>
    %swap3A_33 = arith.constant 0 : index
    %swap3A_34 = arith.constant 0 : index
    %swap3A_35 = arith.constant 8192 : index
    %swap3A_36 = vector.load %arg4[%swap3A_33, %swap3A_34, %swap3A_35] : memref<1x64x16384xf32, #tpu.memory_space<vmem>>, vector<1x64x4096xf32>
    %swap3A_37 = vector.shape_cast %swap3A_36 : vector<1x64x4096xf32> to vector<64x4096xf32>
    %swap3A_38 = vector.shape_cast %add3A_32 : vector<64x4096xf32> to vector<1x64x4096xf32>
    tpu.vector_store %arg4[%swap3A_33, %swap3A_34, %swap3A_35], %swap3A_38 {strides = array<i32>} : memref<1x64x16384xf32, #tpu.memory_space<vmem>>, vector<1x64x4096xf32>,
    %slice3A_39 = vector.extract_strided_slice %get3A_9 {offsets = [0, 96], sizes = [4096, 32], strides = [1, 1]} : vector<4096x128xf32> to vector<4096x32xf32>
    %dot_general3A_40 = arith.constant dense<0.000000e+00> : vector<64x4096xf32>
    %dot_general3A_41 = tpu.matmul %get3A_1, %slice3A_39, %dot_general3A_40 {dimension_numbers = #tpu.dot_dimension_numbers<[1], [1], [0], [0], [0, 0, 1, 0], [], []>, transpose_lhs_hint = false} : vector<64x32xf32>, vector<4096x32xf32>, vector<64x4096xf32> -> vector<64x4096xf32>
    %add3A_42 = vector.broadcast %get3A_4 : vector<64x1xf32> to vector<64x4096xf32>
    %add3A_43 = arith.addf %dot_general3A_41, %add3A_42 : vector<64x4096xf32>
    %swap3A_44 = arith.constant 0 : index
    %swap3A_45 = arith.constant 0 : index
    %swap3A_46 = arith.constant 12288 : index
    %swap3A_47 = vector.load %arg4[%swap3A_44, %swap3A_45, %swap3A_46] : memref<1x64x16384xf32, #tpu.memory_space<vmem>>, vector<1x64x4096xf32>
    %swap3A_48 = vector.shape_cast %swap3A_47 : vector<1x64x4096xf32> to vector<64x4096xf32>
    %swap3A_49 = vector.shape_cast %add3A_43 : vector<64x4096xf32> to vector<1x64x4096xf32>
    tpu.vector_store %arg4[%swap3A_44, %swap3A_45, %swap3A_46], %swap3A_49 {strides = array<i32>} : memref<1x64x16384xf32, #tpu.memory_space<vmem>>, vector<1x64x4096xf32>,
    return
  }
  func.func @transform_0(%arg0: i32) -> (i32, i32, i32) {
    %c0_i32 = arith.constant 0 : i32
    %c0_i32_0 = arith.constant 0 : i32
    %c0_i32_1 = arith.constant 0 : i32
    return %arg0, %c0_i32, %c0_i32_0 : i32, i32, i32
  }
  func.func @transform_1(%arg0: i32) -> (i32, i32) {
    %c0_i32 = arith.constant 0 : i32
    %c0_i32_0 = arith.constant 0 : i32
    %c0_i32_1 = arith.constant 0 : i32
    return %c0_i32, %c0_i32_0 : i32, i32
  }
  func.func @transform_2(%arg0: i32) -> (i32, i32) {
    %c0_i32 = arith.constant 0 : i32
    %c0_i32_0 = arith.constant 0 : i32
    %c0_i32_1 = arith.constant 0 : i32
    return %c0_i32, %c0_i32_0 : i32, i32
  }
  func.func @transform_3(%arg0: i32) -> (i32, i32, i32) {
    %c0_i32 = arith.constant 0 : i32
    %c0_i32_0 = arith.constant 0 : i32
    %c0_i32_1 = arith.constant 0 : i32
    return %arg0, %c0_i32, %c0_i32_0 : i32, i32, i32
  }
}

module attributes {stable_mosaic.version = 14 : i64} {
  func.func @_fmt_body(%arg0: i32, %arg1: memref<32x16384xf32, #tpu.memory_space<vmem>>, %arg2: memref<4096x128xf32, #tpu.memory_space<vmem>>) attributes {dimension_semantics = [#tpu.dimension_semantics<arbitrary>], iteration_bounds = array<i64: 62>, scalar_prefetch = 0 : i64, scratch_operands = 0 : i64, tpu.core_type = #tpu.core_type<tc>, window_params = [{transform_indices = @transform_0, window_bounds = array<i64: 32, 16384>}, {transform_indices = @transform_1, window_bounds = array<i64: 4096, 128>}]} {
    %get3A = arith.constant 0 : index
    %get3A_0 = arith.constant 0 : index
    %get3A_1 = vector.load %arg1[%get3A, %get3A_0] : memref<32x16384xf32, #tpu.memory_space<vmem>>, vector<32x4096xf32>
    %transpose3A = tpu.transpose %get3A_1, [1, 0] : vector<32x4096xf32> -> vector<4096x32xf32>
    %get3A_2 = arith.constant 0 : index
    %get3A_3 = arith.constant 4096 : index
    %get3A_4 = vector.load %arg1[%get3A_2, %get3A_3] : memref<32x16384xf32, #tpu.memory_space<vmem>>, vector<32x4096xf32>
    %transpose3A_5 = tpu.transpose %get3A_4, [1, 0] : vector<32x4096xf32> -> vector<4096x32xf32>
    %get3A_6 = arith.constant 0 : index
    %get3A_7 = arith.constant 8192 : index
    %get3A_8 = vector.load %arg1[%get3A_6, %get3A_7] : memref<32x16384xf32, #tpu.memory_space<vmem>>, vector<32x4096xf32>
    %transpose3A_9 = tpu.transpose %get3A_8, [1, 0] : vector<32x4096xf32> -> vector<4096x32xf32>
    %get3A_10 = arith.constant 0 : index
    %get3A_11 = arith.constant 12288 : index
    %get3A_12 = vector.load %arg1[%get3A_10, %get3A_11] : memref<32x16384xf32, #tpu.memory_space<vmem>>, vector<32x4096xf32>
    %transpose3A_13 = tpu.transpose %get3A_12, [1, 0] : vector<32x4096xf32> -> vector<4096x32xf32>
    %concatenate3A = tpu.concatenate %transpose3A, %transpose3A_5, %transpose3A_9, %transpose3A_13 in 1 : vector<4096x32xf32>, vector<4096x32xf32>, vector<4096x32xf32>, vector<4096x32xf32> -> vector<4096x128xf32>
    %swap3A = arith.constant 0 : index
    %swap3A_14 = arith.constant 0 : index
    %swap3A_15 = vector.load %arg2[%swap3A, %swap3A_14] : memref<4096x128xf32, #tpu.memory_space<vmem>>, vector<4096x128xf32>
    tpu.vector_store %arg2[%swap3A, %swap3A_14], %concatenate3A {strides = array<i32>} : memref<4096x128xf32, #tpu.memory_space<vmem>>, vector<4096x128xf32>,
    return
  }
  func.func @transform_0(%arg0: i32) -> (i32, i32) {
    %c0_i32 = arith.constant 0 : i32
    %c0_i32_0 = arith.constant 0 : i32
    return %c0_i32, %arg0 : i32, i32
  }
  func.func @transform_1(%arg0: i32) -> (i32, i32) {
    %c0_i32 = arith.constant 0 : i32
    %c0_i32_0 = arith.constant 0 : i32
    return %arg0, %c0_i32 : i32, i32
  }
}

</mosaic_0001>

<sc_bundles>
// kernel: emb_gather.3.cloned.1.call-start
scs
__scs_entry_jumppad:
0x0: {  	(pc) =	sbr.rel $0x88, $3  }
0x1: {  	(tag) =	ssettag $0x0;
	lr =	simm.s32 $0x1  }
0x2: {  	[smem:$0x3F9D] =	sst lr;
	_ =	strace $0xD0000000  }
0x3: {  	_ = 	snop  }
0x4: {  	_ = 	snop  }
0x5: {  	_ = 	snop  }
0x6: {  	_ = 	snop  }
0x7: {  	_ = 	snop  }
__scs_overlays_trampoline_lowered:
0x8: {  	[smem:$0x3FAC] =	sst s0  }
0x9: {  	[smem:$0x3FAD] =	sst s1  }
0xa: {  	[smem:$0x3FAE] =	sst s2  }
0xb: {  	[smem:$0x3FAF] =	sst s3  }
0xc: {  	[smem:$0x3FB0] =	sst s4  }
0xd: {  	[smem:$0x3FB1] =	sst s5  }
0xe: {  	[smem:$0x3FB2] =	sst s6  }
0xf: {  	[smem:$0x3FB3] =	sst s7  }
0x10: {  	[smem:$0x3FB4] =	sst s8  }
0x11: {  	[smem:$0x3FB5] =	sst s9;
	s0 =	simm.s32 @!p0 $0x0  }
0x12: {  	s1 =	sld [smem:$0x3F9B];
	s0 =	simm.s32 @p0 $0x1  }
0x13: {  	[smem:$0x3FB6] =	sst s0;
	s0 =	simm.s32 @!p1 $0x0  }
0x14: {  	s2 =	sld [smem:$0x3F9A];
	s0 =	simm.s32 @p1 $0x1  }
0x15: {  	[smem:$0x3FB7] =	sst s0;
	s0 =	simm.s32 @!p2 $0x0  }
0x16: {  	s3 =	sld [smem:$0x3FDB];
	s0 =	simm.s32 @p2 $0x1  }
0x17: {  	s4 =	simm.s32 $0x1BF5;
	[smem:$0x3FB9] =	sst s0  }
0x18: {  	s0 =	sld [smem:$0x3F9C];
	_ =	swait.ge [sflag:s4], $0x0  }
0x19: {  	s7 =	sld [smem:$0x3F9D]  }
0x1a: {  	s8 =	sadd.s32 $0xFFFFE003, lr  }
0x1b: {  	s9 =	sadd.s32 $0xFFFFFEF7, lr;
	s5 =	simm.s32 $0xFFFFFFFF;
	p2 =	slt.u32 s8, $0xFFFFF086  }
0x1c: {  	p1 =	slt.u32 s9, $0xF7A;
	s5 =	simm.s32 @!p2 $0x0  }
0x1d: {  	s5 =	simm.s32 @p1 $0x1;
	p0 =	seq.s32 s7, s2  }
0x1e: {  	s7 =	smul.u32 @!p0 $0xF7A, s2;
	p2 =	seq.s32 @!p0 s5, $0x0  }
0x1f: {  	s9 =	smul.u32 $0xF7A, s1;
	s8 =	simm.s32 @!p0 $0x1BF5;
	p2 =	por !p2, p0  }
0x20: {  	[sflag:s8] =	ssyncset.s32 @!p0 $0xFFFFF086;
	s6 =	sadd.s32 @!p0 s3, s7;
	s7 =	simm.s32 @!p0 $0x108  }
0x21: {  	s3 =	sadd.s32 s3, s9;
	s6 =	sadd.s32 @!p0 $0x88, s6;
	s7 =	simm.s32 @p2 $0x1082  }
0x22: {  	[simem:s7], [sflag:s8] =	dma.local @!p0 [hbm:s6], $0xF7A  }
0x23: {  	s9 =	sor.u32 $0xD0000000, s2;
	s6 =	simm.s32 $0x108;
	_ =	swait.ge @!p0 [sflag:s8], $0x0  }
0x24: {  	s3 =	sadd.s32 $0x88, s3;
	s6 =	simm.s32 @!p1 $0x1082;
	[sflag:s4] =	ssyncset.s32 $0xFFFFF086  }
0x25: {  	[simem:s6], [sflag:s4] =	dma.local [hbm:s3], $0xF7A  }
0x26: {  	[smem:$0x3F9D] =	sst s1;
	(tag) =	ssettag s2;
	_ =	strace s9  }
0x27: {  	s1 =	sld [smem:$0x3FAD]  }
0x28: {  	s2 =	sld [smem:$0x3FAE]  }
0x29: {  	s4 =	sld [smem:$0x3FB0]  }
0x2a: {  	p0 =	seq.s32 s5, $0x0;
	s5 =	sld [smem:$0x3FB1]  }
0x2b: {  	s6 =	sld [smem:$0x3FB2]  }
0x2c: {  	s7 =	sld [smem:$0x3FB3]  }
0x2d: {  	s3 =	simm.s32 $0x108;
	s8 =	sld [smem:$0x3FB4]  }
0x2e: {  	s3 =	simm.s32 @!p0 $0x1082;
	s9 =	sld [smem:$0x3FB5]  }
0x2f: {  	lr =	sadd.s32 s0, s3;
	s0 =	sld [smem:$0x3FAC]  }
0x30: {  	s3 =	sld [smem:$0x3FAF]  }
0x31: {  	[smem:$0x3FB8] =	sst s10  }
0x32: {  	s10 =	sld [smem:$0x3FB6];
	_ =	sdelay $0x3  }
0x33: {  	p0 =	seq.s32 s10, $0x1;
	s10 =	sld [smem:$0x3FB8];
	_ =	sdelay $0x3  }
0x34: {  	[smem:$0x3FB8] =	sst s10  }
0x35: {  	s10 =	sld [smem:$0x3FB7];
	_ =	sdelay $0x3  }
0x36: {  	p1 =	seq.s32 s10, $0x1;
	s10 =	sld [smem:$0x3FB8];
	_ =	sdelay $0x3  }
0x37: {  	[smem:$0x3FB8] =	sst s10  }
0x38: {  	s10 =	sld [smem:$0x3FB9]  }
0x39: {  	_ = 	snop;
	(pc) =	sbr.ind lr, $3  }
0x3a: {  	_ = 	snop  }
0x3b: {  	_ = 	snop  }
0x3c: {  	p2 =	seq.s32 s10, $0x1;
	s10 =	sld [smem:$0x3FB8]  }
0x3d: {  	_ =	shalt  }
0x3e: {  	_ =	shalt  }
0x3f: {  	_ =	shalt  }
0x40: {  	_ =	shalt  }
0x41: {  	_ =	shalt  }
0x42: {  	_ =	shalt  }
0x43: {  	_ =	shalt  }
0x44: {  	_ =	shalt  }
0x45: {  	_ =	shalt  }
0x46: {  	_ =	shalt  }
0x47: {  	_ =	shalt  }
0x48: {  	_ =	shalt  }
0x49: {  	_ =	shalt  }
0x4a: {  	_ =	shalt  }
0x4b: {  	_ =	shalt  }
0x4c: {  	_ =	shalt  }
0x4d: {  	_ =	shalt  }
0x4e: {  	_ =	shalt  }
0x4f: {  	_ =	shalt  }
0x50: {  	_ =	shalt  }
0x51: {  	_ =	shalt  }
0x52: {  	_ =	shalt  }
0x53: {  	_ =	shalt  }
0x54: {  	_ =	shalt  }
0x55: {  	_ =	shalt  }
0x56: {  	_ =	shalt  }
0x57: {  	_ =	shalt  }
0x58: {  	_ =	shalt  }
0x59: {  	_ =	shalt  }
0x5a: {  	_ =	shalt  }
0x5b: {  	_ =	shalt  }
0x5c: {  	_ =	shalt  }
0x5d: {  	_ =	shalt  }
0x5e: {  	_ =	shalt  }
0x5f: {  	_ =	shalt  }
0x60: {  	_ =	shalt  }
0x61: {  	_ =	shalt  }
0x62: {  	_ =	shalt  }
0x63: {  	_ =	shalt  }
0x64: {  	_ =	shalt  }
0x65: {  	_ =	shalt  }
0x66: {  	_ =	shalt  }
0x67: {  	_ =	shalt  }
0x68: {  	_ =	shalt  }
0x69: {  	_ =	shalt  }
0x6a: {  	_ =	shalt  }
0x6b: {  	_ =	shalt  }
0x6c: {  	_ =	shalt  }
0x6d: {  	_ =	shalt  }
0x6e: {  	_ =	shalt  }
0x6f: {  	_ =	shalt  }
0x70: {  	_ =	shalt  }
0x71: {  	_ =	shalt  }
0x72: {  	_ =	shalt  }
0x73: {  	_ =	shalt  }
0x74: {  	_ =	shalt  }
0x75: {  	_ =	shalt  }
0x76: {  	_ =	shalt  }
0x77: {  	_ =	shalt  }
0x78: {  	_ =	shalt  }
0x79: {  	_ =	shalt  }
0x7a: {  	_ =	shalt  }
0x7b: {  	_ =	shalt  }
0x7c: {  	_ =	shalt  }
0x7d: {  	_ =	shalt  }
0x7e: {  	_ =	shalt  }
0x7f: {  	_ =	shalt  }
0x80: {  	_ =	shalt  }
0x81: {  	_ =	shalt  }
0x82: {  	_ =	shalt  }
0x83: {  	_ =	shalt  }
0x84: {  	_ =	shalt  }
0x85: {  	_ =	shalt  }
0x86: {  	_ =	shalt  }
0x87: {  	_ =	shalt  }
.Lfunc_end0:
.L_simem_size_0:
called_computation_lowered:
.L_overlay_start_0:
0x88: {  	s2 =	sld [smem:$0x3FD9]  }
0x89: {  	s3 =	sld [smem:$0x3FFE];
	_ =	sdelay $0x1  }
0x8a: {  	s1 =	srdreg.scid  }
0x8b: {  	s0 =	sand.u32 $0x1, s1  }
0x8c: {  	s17 =	sshll.u32 s0, $0xA;
	s2 =	sadd.s32 s3, s2  }
0x8d: {  	s2 =	sadd.s32 s2, s17  }
0x8e: {  	[smem:$0x3FC4] =	sst s2  }
0x8f: {  	_ = 	snop  }
0x90: {  	s2 =	sld [smem:$0x3FD0];
	(tm) =	ssettm $0x1  }
0x91: {  	s18 =	sld [smem:$0x3FFB];
	_ =	sdelay $0x3  }
0x92: {  	_ =	strace s18  }
0x93: {  	s3 =	sld [smem:$0x3FFC];
	_ =	sdelay $0x3  }
0x94: {  	_ =	strace s3  }
0x95: {  	s3 =	sld [smem:$0x3FFD];
	_ =	sdelay $0x3  }
0x96: {  	_ =	strace s3  }
0x97: {  	_ =	strace $0x8FFFFFFF  }
0x98: {  	s19 =	sld [smem:$0x3FDB];
	_ =	sdelay $0x1  }
0x99: {  	s4 =	simm.s32 $_scs_section_size  }
0x9a: {  	s5 =	simm.s32 $_size__tile_overlayer_lowered;
	s6 =	simm.s32 $_tile_overlayer_lowered  }
0x9b: {  	s22 =	simm.s32 $0x1BFF;
	s21 =	sshll.u32 s6, $0x1;
	s3 =	sadd.s32 s4, s19  }
0x9c: {  	s7 =	simm.s32 $0x0;
	s20 =	sshll.u32 s5, $0x1;
	s5 =	sadd.s32 s21, s3  }
0x9d: {  	[timem:s7], [sflag:s22] =	dma.local [hbm:s5], s20  }
0x9e: {  	_ =	swait.ge [sflag:s22], s20  }
0x9f: {  	s4 =	ssub.s32 $0x0, s20;
	[sflag:s22] =	ssyncset.done $0x0  }
0xa0: {  	[sflag:s22] =	ssyncadd.s32 s4;
	_ =	sdelay $0x1  }
0xa1: {  	s23 =	simm.s32 $0x1B8B  }
0xa2: {  	_ =	swait.ge [sflag:s23], $0x1  }
0xa3: {  	[sflag:s23] =	ssyncset.done $0x0  }
0xa4: {  	s25 =	simm.s32 $0x1B8E;
	s24 =	sld [smem:$0x3FFE];
	[sflag:s23] =	ssyncadd.s32 $0xFFFFFFFF  }
0xa5: {  	s26 =	simm.s32 $execute0_lowered;
	[smem:$0x3FD2] =	sst s25  }
0xa6: {  	s5 =	sshll.u32 s26, $0x1;
	_ =	strace $0x80000046;
	[dreg:$0x1] =	wrdreg $0xFFFFFFFF  }
0xa7: {  	s28 =	simm.s32 $_size_execute0_lowered;
	s3 =	sadd.s32 s3, s5;
	[dreg:$0x0] =	wrdreg $0x0  }
0xa8: {  	s5 =	sshll.u32 s28, $0x1;
	[dreg:$0x2] =	wrdreg s3  }
0xa9: {  	[dreg:$0x3] =	wrdreg s5  }
0xaa: {  	[dreg:$0x4] =	wrdreg $0xC0  }
0xab: {  	_ =	task [dreg:s7], $0x5FFFF  }
0xac: {  	[dreg:$0x1] =	wrdreg $0xFFFFFFFF  }
0xad: {  	[dreg:$0x0] =	wrdreg $0x60  }
0xae: {  	[dreg:$0x2] =	wrdreg s2  }
0xaf: {  	[dreg:$0x3] =	wrdreg s24  }
0xb0: {  	[dreg:$0x4] =	wrdreg $0x9  }
0xb1: {  	_ =	task.clear_ibuf [dreg:s7], $0x5FFFF;
	_ =	strace $0x90000046  }
0xb2: {  	s29 =	simm.s32 $0x9;
	_ =	strace $0x80000048  }
0xb3: {  	_ =	swait.ge [sflag:s29], $0x1  }
0xb4: {  	[sflag:s29] =	ssyncadd.s32 $0xFFFFFFFF  }
0xb5: {  	_ =	strace $0x90000048  }
0xb6: {  	_ =	sfence  }
0xb7: {  	s30 =	sld [smem:$0x0];
	_ =	sdelay $0x2  }
0xb8: {  	s31 =	sshll.u32 s1, $0xD;
	s1 =	sshrl.u32 s1, $0x2  }
0xb9: {  	s3 =	sand.u32 $0x4000, s31;
	s1 =	sadd.s32 s1, s30  }
0xba: {  	s0 =	sor.u32 s3, s0;
	s1 =	sshll.u32 s1, $0x11  }
0xbb: {  	s0 =	sor.u32 s1, s0  }
0xbc: {  	s0 =	sadd.s32 $0x8F2B, s0  }
0xbd: {  	[sflag:s0] =	ssyncadd.remote.s32 $0x1  }
0xbe: {  	_ =	sfence.sel $0xFFFF  }
0xbf: {  	[dreg:$0x0] =	wrdreg $0xFFFFFFFF;
	(pc) =	sbr.abs _section_cstart, $3  }
0xc0: {  	[dreg:$0x1] =	wrdreg $0xFFFFFFFF  }
0xc1: {  	_ =	task.clear_ibuf [dreg:s7], $0x2FFFF;
	_ =	strace $0x9FFFFFFF  }
0xc2: {  	(tm) =	ssettm $0x7FFFFFFF  }
0xc3: {  	_ =	shalt  }
tec
execute0_lowered:
.L_overlay_start_1:
0x0: {  	(tag) =	ssettag $0x1  }
0x1: {  	s1 =	srdreg.scid;
	s6 =	rddreg [dreg:$0x0]  }
0x2: {  	s0 =	stileid.u32;
	s8 =	rddreg [dreg:$0x1]  }
0x3: {  	s2 =	simm.s32 $0x0;
	s30 =	simm.s32 $0x4400;
	s31 =	simm.s32 $0x5400  }
0x4: {  	s15 =	simm.s32 $0x8400;
	s16 =	simm.s32 $0x9400;
	s7 =	smul.u32 $0x68000, s0  }
0x5: {  	s17 =	simm.s32 $0xA400;
	s18 =	simm.s32 $0x1;
	s10 =	smul.u32 $0x1A, s0  }
0x6: {  	s19 =	simm.s32 $0x20;
	s4 =	sand.u32 $0x1, s1;
	s14 =	smul.u32 $0x1A000, s0  }
0x7: {  	s20 =	simm.s32 $0x0;
	s28 =	sshll.u32 s0, $0x1;
	s9 =	smul.u32 $0x34000, s4  }
0x8: {  	[smem:$0x7FF] =	sst s2;
	s3 =	sadd.s32 $0xA00, s8;
	s12 =	smul.u32 $0xD, s4  }
0x9: {  	s1 =	sor.u32 s4, s28;
	s11 =	ssub.s32 $0x2, s4;
	s29 =	smul.u32 $0xD000, s4  }
0xa: {  	s4 =	sadd.s32 $0x3E0A00, s8;
	s5 =	smul.u32 $0x680, s1;
	s1 =	rddreg [dreg:$0x2]  }
0xb: {  	_ =	strace $0x80000047;
	s13 =	sshrl.u32 s11, $0x1;
	[dreg:$0x3] =	wrdreg s30  }
0xc: {  	[dreg:$0x4] =	wrdreg s31;
	s11 =	ssub.s32 s11, s13;
	s7 =	sadd.s32 s9, s7  }
0xd: {  	s8 =	sadd.s32 s12, s10;
	s9 =	sadd.s32 s29, s14;
	s10 =	simm.s32 $0x2  }
0xe: {  	s12 =	simm.s32 $0x3400;
	s13 =	simm.s32 $0x6400;
	s14 =	simm.s32 $0x7400  }
0xf: {  	s5 =	sadd.s32 s6, s5;
	s6 =	smax.u32 s11, $0x1;
	s11 =	simm.s32 $0x80  }
.LBB2_1:
0x10: {  	[tilespmem:s2], [sflag:$0x2] =	stream.linear.gather [hbm4b:s5+s2], $0x3400, $0x38;
	[tilespmem:$0xB400] =	vst v63  }
0x11: {  	_ =	swait.ge [sflag:s10], $0x3400  }
0x12: {  	[sflag:s10] =	ssyncset.done $0x0  }
0x13: {  	s21 =	simm.s32 $0x0;
	[sflag:s10] =	ssyncadd.s32 $0xFFFFCC00  }
0x14: {  	v0 =	vld [tilespmem:s21+$0x0]  }
0x15: {  	v1 =	vld [tilespmem:s21+$0x10]  }
0x16: {  	v5 =	vld [tilespmem:s21+$0x30];
	_ =	sdelay $0x2  }
0x17: {  	v2 =	vshll.u32 v0, $0x2  }
0x18: {  	v3 =	vld [tilespmem:s21+$0x20];
	v4 =	vand.u32 $0xFFFFC000, v0;
	v0 =	vshrl.u32 v0, $0xC;
	v6 =	vand.u32 $0xFFFFC000, v1  }
0x19: {  	v7 =	vshll.u32 v5, $0x2;
	v9 =	vand.u32 $0xFFFFC000, v5;
	v5 =	vshrl.u32 v5, $0xC  }
0x1a: {  	v2 =	vand.u32 $0x3FFC, v2;
	v0 =	vand.u32 $0x3, v0;
	v7 =	vand.u32 $0x3FFC, v7  }
0x1b: {  	v8 =	vld [tilespmem:s21+$0x40];
	v2 =	vor.u32 v4, v2;
	v4 =	vshll.u32 v1, $0x2;
	v1 =	vshrl.u32 v1, $0xC  }
0x1c: {  	v7 =	vor.u32 v9, v7;
	v9 =	vand.u32 $0x3, v5;
	v4 =	vand.u32 $0x3FFC, v4  }
0x1d: {  	v5 =	vld [tilespmem:s21+$0x50];
	v0 =	vor.u32 v0, v2;
	v2 =	vor.u32 v6, v4;
	v6 =	vshll.u32 v3, $0x2  }
0x1e: {  	v4 =	vand.u32 $0xFFFFC000, v3;
	v3 =	vshrl.u32 v3, $0xC;
	v6 =	vand.u32 $0x3FFC, v6  }
0x1f: {  	v1 =	vand.u32 $0x3, v1;
	v3 =	vand.u32 $0x3, v3;
	v6 =	vor.u32 v4, v6  }
0x20: {  	v4 =	vor.u32 v1, v2;
	v1 =	vor.u32 v9, v7;
	v2 =	vld [tilespmem:s21+$0x60];
	v7 =	vshll.u32 v8, $0x2  }
0x21: {  	s22 =	simm.s32 $0x200;
	v3 =	vor.u32 v3, v6;
	v6 =	vand.u32 $0xFFFFC000, v8;
	v8 =	vshrl.u32 v8, $0xC  }
.LBB2_2:
0x22: {  	p0 =	sne.s32 s22, $0xCE00;
	v7 =	vand.u32 $0x3FFC, v7;
	v8 =	vand.u32 $0x3, v8;
	v9 =	vshll.u32 v5, $0x2;
	v10 =	vld [tilespmem:s21+$0x70]  }
0x23: {  	v11 =	vand.u32 $0xFFFFC000, v5;
	v5 =	vshrl.u32 v5, $0xC;
	v9 =	vand.u32 $0x3FFC, v9  }
0x24: {  	s23 =	sshra.s32 s22, $0x2;
	v5 =	vand.u32 $0x3, v5;
	[tilespmem:s21+$0x0] =	vst v0;
	v0 =	vor.u32 v6, v7;
	v6 =	vor.u32 v11, v9  }
0x25: {  	v7 =	vld [tilespmem:s23+$0x0];
	[tilespmem:s21+$0x10] =	vst v4;
	v0 =	vor.u32 v8, v0;
	v4 =	vor.u32 v5, v6;
	v5 =	vshll.u32 v2, $0x2  }
0x26: {  	[tilespmem:s21+$0x20] =	vst v3;
	v3 =	vand.u32 $0xFFFFC000, v2;
	v5 =	vand.u32 $0x3FFC, v5;
	v2 =	vshrl.u32 v2, $0xC  }
0x27: {  	v6 =	vld [tilespmem:s23+$0x10];
	[tilespmem:s21+$0x30] =	vst v1;
	v1 =	vor.u32 v3, v5;
	v2 =	vand.u32 $0x3, v2;
	v3 =	vshll.u32 v10, $0x2  }
0x28: {  	v5 =	vshrl.u32 v10, $0xC;
	[tilespmem:s21+$0x40] =	vst v0;
	v0 =	vand.u32 $0xFFFFC000, v10;
	v3 =	vand.u32 $0x3FFC, v3  }
0x29: {  	v1 =	vor.u32 v2, v1;
	v2 =	vand.u32 $0x3, v5;
	[tilespmem:s21+$0x50] =	vst v4;
	v0 =	vor.u32 v0, v3  }
0x2a: {  	v3 =	vshll.u32 v7, $0x2;
	v4 =	vld [tilespmem:s23+$0x20];
	[tilespmem:s21+$0x60] =	vst v1;
	v0 =	vor.u32 v2, v0  }
0x2b: {  	v1 =	vand.u32 $0xFFFFC000, v7;
	v2 =	vand.u32 $0x3FFC, v3;
	v3 =	vshrl.u32 v7, $0xC;
	v7 =	vld [tilespmem:s23+$0x30];
	[tilespmem:s21+$0x70] =	vst v0;
	s21 =	smov.u32 s23  }
0x2c: {  	v0 =	vor.u32 v1, v2;
	v1 =	vand.u32 $0x3, v3;
	v2 =	vshll.u32 v6, $0x2  }
0x2d: {  	v3 =	vand.u32 $0xFFFFC000, v6;
	v5 =	vshrl.u32 v6, $0xC;
	v2 =	vand.u32 $0x3FFC, v2  }
0x2e: {  	v0 =	vor.u32 v1, v0;
	v1 =	vor.u32 v3, v2;
	v2 =	vand.u32 $0x3, v5  }
0x2f: {  	v3 =	vand.u32 $0xFFFFC000, v4;
	v5 =	vshll.u32 v4, $0x2;
	v4 =	vshrl.u32 v4, $0xC;
	v8 =	vld [tilespmem:s21+$0x40]  }
.Ltmp0:
0x30: {  	v6 =	vand.u32 $0x3FFC, v5;
	v9 =	vand.u32 $0x3, v4;
	v4 =	vshll.u32 v7, $0x2;
	v5 =	vld [tilespmem:s21+$0x50];
	(pc) =	sbr.rel @p0 .LBB2_2-.Ltmp0, $4  }
0x31: {  	v10 =	vand.u32 $0xFFFFC000, v7;
	v7 =	vshrl.u32 v7, $0xC;
	v4 =	vand.u32 $0x3FFC, v4  }
0x32: {  	v3 =	vor.u32 v3, v6;
	v7 =	vand.u32 $0x3, v7;
	v6 =	vor.u32 v10, v4  }
0x33: {  	v4 =	vor.u32 v2, v1;
	v3 =	vor.u32 v9, v3;
	v1 =	vor.u32 v7, v6;
	v2 =	vld [tilespmem:s21+$0x60]  }
0x34: {  	s22 =	sadd.s32 $0x200, s22;
	v6 =	vand.u32 $0xFFFFC000, v8;
	v7 =	vshll.u32 v8, $0x2;
	v8 =	vshrl.u32 v8, $0xC  }
0x35: {  	v7 =	vand.u32 $0x3FFC, v7;
	v8 =	vand.u32 $0x3, v8;
	v9 =	vshll.u32 v5, $0x2;
	v10 =	vld [tilespmem:s21+$0x70]  }
0x36: {  	v11 =	vand.u32 $0xFFFFC000, v5;
	v52 =	vshrl.u32 v5, $0xC;
	v9 =	vand.u32 $0x3FFC, v9  }
0x37: {  	[tilespmem:s21+$0x0] =	vst v0;
	v53 =	vor.u32 v6, v7;
	v5 =	vand.u32 $0x3, v52;
	v54 =	vor.u32 v11, v9  }
0x38: {  	[tilespmem:s21+$0x10] =	vst v4;
	v0 =	vor.u32 v8, v53;
	v55 =	vor.u32 v5, v54;
	v56 =	vshll.u32 v2, $0x2  }
0x39: {  	[tilespmem:s21+$0x20] =	vst v3;
	v57 =	vand.u32 $0xFFFFC000, v2;
	v58 =	vshrl.u32 v2, $0xC;
	v5 =	vand.u32 $0x3FFC, v56  }
0x3a: {  	[tilespmem:s21+$0x30] =	vst v1;
	v2 =	vand.u32 $0x3, v58;
	v59 =	vor.u32 v57, v5;
	v60 =	vshll.u32 v10, $0x2  }
0x3b: {  	[tilespmem:s21+$0x40] =	vst v0;
	v61 =	vand.u32 $0xFFFFC000, v10;
	v62 =	vshrl.u32 v10, $0xC;
	v3 =	vand.u32 $0x3FFC, v60  }
0x3c: {  	[tilespmem:s21+$0x50] =	vst v55;
	v1 =	vor.u32 v2, v59;
	v63 =	vand.u32 $0x3, v62;
	v0 =	vor.u32 v61, v3  }
0x3d: {  	[tilespmem:s21+$0x60] =	vst v1;
	v0 =	vor.u32 v63, v0  }
0x3e: {  	s29 =	simm.s32 $0x0;
	[tilespmem:s21+$0x70] =	vst v0  }
0x3f: {  	[tilespmem:s12], [sflag:$0x1] =	stream.indirect.gather [hbm4b:s3+s11], $0x20, s29, s11, $0xb8;
	[tilespmem:$0xB400] =	vst v63  }
0x40: {  	s22 =	rddreg [dreg:$0x3];
	s23 =	simm.s32 $0x80  }
0x41: {  	[tilespmem:s22], [sflag:$0x1] =	stream.indirect.gather [hbm4b:s3+s11], $0x20, s23, s11, $0xb8;
	[tilespmem:$0xB400] =	vst v63  }
0x42: {  	s30 =	rddreg [dreg:$0x4];
	s31 =	simm.s32 $0x100  }
0x43: {  	[tilespmem:s30], [sflag:$0x1] =	stream.indirect.gather [hbm4b:s3+s11], $0x20, s31, s11, $0xb8;
	[tilespmem:$0xB400] =	vst v63  }
0x44: {  	s23 =	simm.s32 $0x180  }
0x45: {  	[tilespmem:s13], [sflag:$0x1] =	stream.indirect.gather [hbm4b:s3+s11], $0x20, s23, s11, $0xb8;
	[tilespmem:$0xB400] =	vst v63  }
0x46: {  	s24 =	simm.s32 $0x200  }
0x47: {  	[tilespmem:s14], [sflag:$0x1] =	stream.indirect.gather [hbm4b:s3+s11], $0x20, s24, s11, $0xb8;
	[tilespmem:$0xB400] =	vst v63  }
0x48: {  	s25 =	simm.s32 $0x280  }
0x49: {  	[tilespmem:s15], [sflag:$0x1] =	stream.indirect.gather [hbm4b:s3+s11], $0x20, s25, s11, $0xb8;
	[tilespmem:$0xB400] =	vst v63  }
0x4a: {  	s26 =	simm.s32 $0x300  }
0x4b: {  	[tilespmem:s16], [sflag:$0x1] =	stream.indirect.gather [hbm4b:s3+s11], $0x20, s26, s11, $0xb8;
	[tilespmem:$0xB400] =	vst v63  }
0x4c: {  	s28 =	simm.s32 $0x380  }
0x4d: {  	[tilespmem:s17], [sflag:$0x1] =	stream.indirect.gather [hbm4b:s3+s11], $0x20, s28, s11, $0xb8;
	[tilespmem:$0xB400] =	vst v63  }
0x4e: {  	_ =	swait.ge [sflag:s18], $0x1000  }
0x4f: {  	[sflag:s18] =	ssyncset.done $0x0  }
0x50: {  	[sflag:s18] =	ssyncadd.s32 $0xFFFFF000  }
0x51: {  	_ =	swait.ge [sflag:s18], $0x1000  }
0x52: {  	[sflag:s18] =	ssyncset.done $0x0  }
0x53: {  	[sflag:s18] =	ssyncadd.s32 $0xFFFFF000  }
0x54: {  	_ =	swait.ge [sflag:s18], $0x1000  }
0x55: {  	[sflag:s18] =	ssyncset.done $0x0  }
0x56: {  	[sflag:s18] =	ssyncadd.s32 $0xFFFFF000  }
0x57: {  	_ =	swait.ge [sflag:s18], $0x1000  }
0x58: {  	[sflag:s18] =	ssyncset.done $0x0  }
0x59: {  	[sflag:s18] =	ssyncadd.s32 $0xFFFFF000  }
0x5a: {  	_ =	swait.ge [sflag:s18], $0x1000  }
0x5b: {  	[sflag:s18] =	ssyncset.done $0x0  }
0x5c: {  	[sflag:s18] =	ssyncadd.s32 $0xFFFFF000  }
0x5d: {  	_ =	swait.ge [sflag:s18], $0x1000  }
0x5e: {  	[sflag:s18] =	ssyncset.done $0x0  }
0x5f: {  	[sflag:s18] =	ssyncadd.s32 $0xFFFFF000  }
0x60: {  	_ =	swait.ge [sflag:s18], $0x1000  }
0x61: {  	[sflag:s18] =	ssyncset.done $0x0  }
0x62: {  	s29 =	sand.u32 $0xC000, s7;
	s30 =	sadd.s32 $0x0, s9;
	[sflag:s18] =	ssyncadd.s32 $0xFFFFF000  }
0x63: {  	s31 =	sand.u32 $0xC, s8;
	s22 =	sand.u32 $0xFFF0000, s30;
	_ =	swait.ge [sflag:s18], $0x1000  }
0x64: {  	s21 =	sor.u32 s29, s22;
	s24 =	sadd.s32 s4, s31;
	[sflag:s18] =	ssyncset.done $0x0  }
0x65: {  	s23 =	simm.s32 $0x1000;
	s21 =	sadd.s32 s21, s24;
	[sflag:s18] =	ssyncadd.s32 $0xFFFFF000  }
0x66: {  	[hbm4b:s21+s19] =	stream.strided.scatter [tilespmem:s12], [sflag:$0x2], $0x8000, s11, s19, $0x38;
	[tilespmem:$0xB400] =	vst v63  }
0x67: {  	s22 =	sadd.s32 $0x4000, s7;
	s24 =	simm.s32 $0x2000;
	_ =	swait.ge [sflag:s10], $0x8000  }
0x68: {  	s21 =	sadd.s32 $0x1, s8;
	s26 =	rddreg [dreg:$0x4];
	[sflag:s10] =	ssyncset.done $0x0  }
.LBB2_4:
0x69: {  	s28 =	sshra.s32 s23, $0x2;
	[sflag:s10] =	ssyncadd.s32 $0xFFFF8000  }
0x6a: {  	[tilespmem:s12], [sflag:$0x1] =	stream.indirect.gather [hbm4b:s3+s11], $0x20, s28, s11, $0xb8;
	[tilespmem:$0xB400] =	vst v63  }
0x6b: {  	s29 =	rddreg [dreg:$0x3];
	s30 =	sadd.s32 $0x80, s28  }
0x6c: {  	[tilespmem:s29], [sflag:$0x1] =	stream.indirect.gather [hbm4b:s3+s11], $0x20, s30, s11, $0xb8;
	[tilespmem:$0xB400] =	vst v63  }
0x6d: {  	s30 =	sadd.s32 $0x100, s28  }
0x6e: {  	[tilespmem:s26], [sflag:$0x1] =	stream.indirect.gather [hbm4b:s3+s11], $0x20, s30, s11, $0xb8;
	[tilespmem:$0xB400] =	vst v63  }
0x6f: {  	s31 =	sadd.s32 $0x180, s28  }
0x70: {  	[tilespmem:s13], [sflag:$0x1] =	stream.indirect.gather [hbm4b:s3+s11], $0x20, s31, s11, $0xb8;
	[tilespmem:$0xB400] =	vst v63  }
0x71: {  	s29 =	sadd.s32 $0x200, s28  }
0x72: {  	[tilespmem:s14], [sflag:$0x1] =	stream.indirect.gather [hbm4b:s3+s11], $0x20, s29, s11, $0xb8;
	[tilespmem:$0xB400] =	vst v63  }
0x73: {  	s30 =	sadd.s32 $0x280, s28  }
0x74: {  	[tilespmem:s15], [sflag:$0x1] =	stream.indirect.gather [hbm4b:s3+s11], $0x20, s30, s11, $0xb8;
	[tilespmem:$0xB400] =	vst v63  }
0x75: {  	s31 =	sadd.s32 $0x300, s28  }
0x76: {  	[tilespmem:s16], [sflag:$0x1] =	stream.indirect.gather [hbm4b:s3+s11], $0x20, s31, s11, $0xb8;
	[tilespmem:$0xB400] =	vst v63  }
0x77: {  	s28 =	sadd.s32 $0x380, s28  }
0x78: {  	[tilespmem:s17], [sflag:$0x1] =	stream.indirect.gather [hbm4b:s3+s11], $0x20, s28, s11, $0xb8;
	[tilespmem:$0xB400] =	vst v63  }
0x79: {  	_ =	swait.ge [sflag:s18], $0x1000  }
0x7a: {  	[sflag:s18] =	ssyncset.done $0x0  }
0x7b: {  	[sflag:s18] =	ssyncadd.s32 $0xFFFFF000  }
0x7c: {  	_ =	swait.ge [sflag:s18], $0x1000  }
0x7d: {  	[sflag:s18] =	ssyncset.done $0x0  }
0x7e: {  	[sflag:s18] =	ssyncadd.s32 $0xFFFFF000  }
0x7f: {  	_ =	swait.ge [sflag:s18], $0x1000  }
0x80: {  	[sflag:s18] =	ssyncset.done $0x0  }
0x81: {  	[sflag:s18] =	ssyncadd.s32 $0xFFFFF000  }
0x82: {  	_ =	swait.ge [sflag:s18], $0x1000  }
0x83: {  	[sflag:s18] =	ssyncset.done $0x0  }
0x84: {  	[sflag:s18] =	ssyncadd.s32 $0xFFFFF000  }
0x85: {  	_ =	swait.ge [sflag:s18], $0x1000  }
0x86: {  	[sflag:s18] =	ssyncset.done $0x0  }
0x87: {  	[sflag:s18] =	ssyncadd.s32 $0xFFFFF000  }
0x88: {  	_ =	swait.ge [sflag:s18], $0x1000  }
0x89: {  	[sflag:s18] =	ssyncset.done $0x0  }
0x8a: {  	[sflag:s18] =	ssyncadd.s32 $0xFFFFF000  }
0x8b: {  	s25 =	smov.u32 s24;
	_ =	swait.ge [sflag:s18], $0x1000  }
0x8c: {  	p0 =	sne.s32 s24, $0xC000;
	s30 =	sadd.s32 s23, s9;
	[sflag:s18] =	ssyncset.done $0x0  }
0x8d: {  	s29 =	sand.u32 $0xC000, s22;
	s23 =	sand.u32 $0xFFF0000, s30;
	[sflag:s18] =	ssyncadd.s32 $0xFFFFF000  }
0x8e: {  	s31 =	sand.u32 $0xC, s21;
	s23 =	sor.u32 s29, s23;
	_ =	swait.ge [sflag:s18], $0x1000  }
.Ltmp1:
0x8f: {  	s28 =	sadd.s32 s4, s31;
	[sflag:s18] =	ssyncset.done $0x0;
	(pc) =	sbr.rel @p0 .LBB2_4-.Ltmp1, $4  }
0x90: {  	s24 =	sadd.s32 $0x1000, s24;
	s26 =	sadd.s32 s23, s28;
	[sflag:s18] =	ssyncadd.s32 $0xFFFFF000  }
0x91: {  	[hbm4b:s26+s19] =	stream.strided.scatter [tilespmem:s12], [sflag:$0x2], $0x8000, s11, s19, $0x38;
	[tilespmem:$0xB400] =	vst v63  }
0x92: {  	s22 =	sadd.s32 $0x4000, s22;
	s21 =	sadd.s32 $0x1, s21;
	_ =	swait.ge [sflag:s10], $0x8000  }
0x93: {  	s23 =	smov.u32 s25;
	s26 =	rddreg [dreg:$0x4];
	[sflag:s10] =	ssyncset.done $0x0  }
0x94: {  	s24 =	sshra.s32 s23, $0x2;
	[sflag:s10] =	ssyncadd.s32 $0xFFFF8000  }
0x95: {  	[tilespmem:s12], [sflag:$0x1] =	stream.indirect.gather [hbm4b:s3+s11], $0x20, s24, s11, $0xb8;
	[tilespmem:$0xB400] =	vst v63  }
0x96: {  	s25 =	rddreg [dreg:$0x3];
	s28 =	sadd.s32 $0x80, s24  }
0x97: {  	[tilespmem:s25], [sflag:$0x1] =	stream.indirect.gather [hbm4b:s3+s11], $0x20, s28, s11, $0xb8;
	[tilespmem:$0xB400] =	vst v63  }
0x98: {  	s31 =	sadd.s32 $0x100, s24  }
0x99: {  	[tilespmem:s26], [sflag:$0x1] =	stream.indirect.gather [hbm4b:s3+s11], $0x20, s31, s11, $0xb8;
	[tilespmem:$0xB400] =	vst v63  }
0x9a: {  	s26 =	sadd.s32 $0x180, s24  }
0x9b: {  	[tilespmem:s13], [sflag:$0x1] =	stream.indirect.gather [hbm4b:s3+s11], $0x20, s26, s11, $0xb8;
	[tilespmem:$0xB400] =	vst v63  }
0x9c: {  	s28 =	sadd.s32 $0x200, s24  }
0x9d: {  	[tilespmem:s14], [sflag:$0x1] =	stream.indirect.gather [hbm4b:s3+s11], $0x20, s28, s11, $0xb8;
	[tilespmem:$0xB400] =	vst v63  }
0x9e: {  	s29 =	sadd.s32 $0x280, s24  }
0x9f: {  	[tilespmem:s15], [sflag:$0x1] =	stream.indirect.gather [hbm4b:s3+s11], $0x20, s29, s11, $0xb8;
	[tilespmem:$0xB400] =	vst v63  }
0xa0: {  	s30 =	sadd.s32 $0x300, s24  }
0xa1: {  	[tilespmem:s16], [sflag:$0x1] =	stream.indirect.gather [hbm4b:s3+s11], $0x20, s30, s11, $0xb8;
	[tilespmem:$0xB400] =	vst v63  }
0xa2: {  	s24 =	sadd.s32 $0x380, s24  }
0xa3: {  	[tilespmem:s17], [sflag:$0x1] =	stream.indirect.gather [hbm4b:s3+s11], $0x20, s24, s11, $0xb8;
	[tilespmem:$0xB400] =	vst v63  }
0xa4: {  	_ =	swait.ge [sflag:s18], $0x1000  }
0xa5: {  	[sflag:s18] =	ssyncset.done $0x0  }
0xa6: {  	[sflag:s18] =	ssyncadd.s32 $0xFFFFF000  }
0xa7: {  	_ =	swait.ge [sflag:s18], $0x1000  }
0xa8: {  	[sflag:s18] =	ssyncset.done $0x0  }
0xa9: {  	[sflag:s18] =	ssyncadd.s32 $0xFFFFF000  }
0xaa: {  	_ =	swait.ge [sflag:s18], $0x1000  }
0xab: {  	[sflag:s18] =	ssyncset.done $0x0  }
0xac: {  	[sflag:s18] =	ssyncadd.s32 $0xFFFFF000  }
0xad: {  	_ =	swait.ge [sflag:s18], $0x1000  }
0xae: {  	[sflag:s18] =	ssyncset.done $0x0  }
0xaf: {  	[sflag:s18] =	ssyncadd.s32 $0xFFFFF000  }
0xb0: {  	_ =	swait.ge [sflag:s18], $0x1000  }
0xb1: {  	[sflag:s18] =	ssyncset.done $0x0  }
0xb2: {  	[sflag:s18] =	ssyncadd.s32 $0xFFFFF000  }
0xb3: {  	_ =	swait.ge [sflag:s18], $0x1000  }
0xb4: {  	[sflag:s18] =	ssyncset.done $0x0  }
0xb5: {  	[sflag:s18] =	ssyncadd.s32 $0xFFFFF000  }
0xb6: {  	_ =	swait.ge [sflag:s18], $0x1000  }
0xb7: {  	s22 =	sand.u32 $0xC000, s22;
	s21 =	sand.u32 $0xC, s21;
	[sflag:s18] =	ssyncset.done $0x0  }
0xb8: {  	s20 =	sadd.s32 $0x1, s20;
	s31 =	sadd.s32 s23, s9;
	[sflag:s18] =	ssyncadd.s32 $0xFFFFF000  }
0xb9: {  	s21 =	sadd.s32 s4, s21;
	s23 =	sand.u32 $0xFFF0000, s31;
	_ =	swait.ge [sflag:s18], $0x1000  }
0xba: {  	p0 =	sne.s32 s20, s6;
	s22 =	sor.u32 s22, s23;
	[sflag:s18] =	ssyncset.done $0x0  }
.Ltmp2:
0xbb: {  	s21 =	sadd.s32 s22, s21;
	[sflag:s18] =	ssyncadd.s32 $0xFFFFF000;
	(pc) =	sbr.rel @p0 .LBB2_1-.Ltmp2, $4  }
0xbc: {  	[hbm4b:s21+s19] =	stream.strided.scatter [tilespmem:s12], [sflag:$0x2], $0x8000, s11, s19, $0x38;
	[tilespmem:$0xB400] =	vst v63  }
0xbd: {  	_ =	swait.ge [sflag:s10], $0x8000  }
0xbe: {  	[sflag:s10] =	ssyncset.done $0x0  }
0xbf: {  	[sflag:s10] =	ssyncadd.s32 $0xFFFF8000  }
0xc0: {  	_ =	sfence.sel $0x180000  }
0xc1: {  	[bflag:$0x0] =	sbarrier.arrive $0xFFFF  }
0xc2: {  	p0 =	sne.s32 s0, $0x0;
	_ =	strace $0x90000047  }
0xc3: {  	s0 =	sadd.s32 @!p0 $0x100000, s1;
	[bflag:$0x2] =	sbarrier.arrive $0xFFFF  }
0xc4: {  	[sflag:s0] =	ssyncadd.tile.s32 @!p0 $0x1;
	_ =	shalt  }
.Lfunc_end2:
_tile_overlayer_lowered:
.L_overlay_start_2:
0xc5: {  	(tag) =	ssettag $0x2  }
0xc6: {  	s0 =	rddreg [dreg:$0x0];
	s2 =	stileid.u32  }
0xc7: {  	s1 =	rddreg [dreg:$0x1];
	p0 =	sne.s32 s2, $0x0  }
0xc8: {  	s3 =	rddreg [dreg:$0x2];
	[bflag:$0x3] =	sbarrier.arrive $0xFFFF;
	s2 =	simm.s32 @!p0 $0x1C02  }
0xc9: {  	[timem:s3], [sflag:s2] =	dma.local @!p0 [hbm:s0], s1  }
0xca: {  	s0 =	simm.s32 @!p0 $0x2  }
0xcb: {  	_ =	swait.ge @!p0 [sflag:s0], s1  }
0xcc: {  	s1 =	ssub.s32 @!p0 $0x0, s1;
	[sflag:s0] =	ssyncset.done @!p0 $0x0  }
0xcd: {  	[sflag:s0] =	ssyncadd.s32 @!p0 s1  }
0xce: {  	[bflag:$0x3] =	sbarrier.arrive $0xFFFF  }
0xcf: {  	_ =	shalt  }

</sc_bundles>
